<compile_context>
chip_gen: v7x
topology: tpu7x:2x2x1
jax: 0.10.2.dev20260603
libtpu: 0.0.44.dev20260713+nightly
codegen_flags: <defaults>
</compile_context>

<pallas_src>
import functools

import jax
import jax.numpy as jnp
from jax import lax
from jax.experimental import pallas as pl
from jax.experimental.pallas import tpu as pltpu
from jax.experimental.pallas import tpu_sc as plsc

N = 10000
E = 320000
IN_DIM = 128
HID = 64
OUT_DIM = 128
G = 64

NC = 2
NS = 16
EC = 512
STEPS = 40
EP = NS * STEPS * EC
HH = HID // NC
R = 10240
ZROWS = R // NS
HROWS = N // NS

_sc_mesh = plsc.VectorSubcoreMesh(core_axis_name="c", subcore_axis_name="s")


@functools.partial(
    pl.kernel,
    out_type=jax.ShapeDtypeStruct((R, HID), jnp.float32),
    mesh=_sc_mesh,
    scratch_types=[
        pltpu.VMEM((STEPS, EC), jnp.int32),
        pltpu.VMEM((STEPS, EC), jnp.int32),
        pltpu.VMEM((EC, HH), jnp.float32),
        pltpu.VMEM((EC, HH), jnp.float32),
        pltpu.VMEM_SHARED((R, HH), jnp.float32),
        pltpu.VMEM_SHARED((N, HH), jnp.float32),
        pltpu.SemaphoreType.DMA,
        pltpu.SemaphoreType.DMA,
        pltpu.SemaphoreType.DMA,
        pltpu.SemaphoreType.DMA,
    ],
    compiler_params=pltpu.CompilerParams(use_tc_tiling_on_sc=False),
)
def _sc_agg(h_hbm, src_hbm, dst_hbm, z_hbm, out_hbm,
            src_v, dst_v, rows0, rows1, agg_sh, h_sh, gs0, gs1, ss0, ss1):
    cid = lax.axis_index("c")
    sid = lax.axis_index("s")
    pltpu.sync_copy(z_hbm, agg_sh.at[pl.ds(sid * ZROWS, ZROWS)])
    pltpu.sync_copy(h_hbm.at[pl.ds(sid * HROWS, HROWS), pl.ds(cid * HH, HH)],
                    h_sh.at[pl.ds(sid * HROWS, HROWS)])
    pltpu.sync_copy(src_hbm.at[sid], src_v)
    pltpu.sync_copy(dst_hbm.at[sid], dst_v)
    plsc.subcore_barrier()

    pltpu.async_copy(h_sh.at[src_v.at[0]], rows0, gs0)

    @pl.loop(0, STEPS, step=2)
    def _(j):
        pltpu.make_async_copy(h_sh.at[src_v.at[j]], rows0, gs0).wait()

        @pl.when(j >= 1)
        def _():
            pltpu.make_async_copy(
                rows1, agg_sh.at[dst_v.at[j - 1]], ss1).wait()

        pltpu.async_copy(h_sh.at[src_v.at[j + 1]], rows1, gs1)
        pltpu.async_copy(rows0, agg_sh.at[dst_v.at[j]], ss0, add=True)

        pltpu.make_async_copy(h_sh.at[src_v.at[j + 1]], rows1, gs1).wait()

        @pl.when(j + 2 < STEPS)
        def _():
            pltpu.make_async_copy(
                rows0, agg_sh.at[dst_v.at[j]], ss0).wait()
            pltpu.async_copy(h_sh.at[src_v.at[j + 2]], rows0, gs0)

        pltpu.async_copy(rows1, agg_sh.at[dst_v.at[j + 1]], ss1, add=True)

    pltpu.make_async_copy(rows0, agg_sh.at[dst_v.at[STEPS - 2]], ss0).wait()
    pltpu.make_async_copy(rows1, agg_sh.at[dst_v.at[STEPS - 1]], ss1).wait()

    plsc.subcore_barrier()
    pltpu.sync_copy(agg_sh.at[pl.ds(sid * ZROWS, ZROWS)],
                    out_hbm.at[pl.ds(sid * ZROWS, ZROWS), pl.ds(cid * HH, HH)])


def _proj_in_body(x_ref, w_ref, b_ref, o_ref):
    o_ref[...] = jnp.dot(x_ref[...], w_ref[...],
                         preferred_element_type=jnp.float32) + b_ref[...]


def _gin_mlp_body(h_ref, p_ref, w1_ref, b1_ref, w2_ref, b2_ref, o_ref):
    m = h_ref[...] + p_ref[:N]
    t = jnp.maximum(jnp.dot(m, w1_ref[...],
                            preferred_element_type=jnp.float32) + b1_ref[...], 0.0)
    o_ref[...] = jnp.maximum(jnp.dot(t, w2_ref[...],
                                     preferred_element_type=jnp.float32) + b2_ref[...], 0.0)


def _final_body(h_ref, p_ref, w1_ref, b1_ref, w2_ref, b2_ref,
                wo_ref, bo_ref, batch_ref, o_ref):
    m = h_ref[...] + p_ref[:N]
    t = jnp.maximum(jnp.dot(m, w1_ref[...],
                            preferred_element_type=jnp.float32) + b1_ref[...], 0.0)
    h2 = jnp.maximum(jnp.dot(t, w2_ref[...],
                             preferred_element_type=jnp.float32) + b2_ref[...], 0.0)
    ho = jnp.dot(h2, wo_ref[...], preferred_element_type=jnp.float32) + bo_ref[...]
    gids = lax.broadcasted_iota(jnp.int32, (N, G), 1)
    onehot = jnp.where(batch_ref[...] == gids, 1.0, 0.0)
    sums = lax.dot_general(onehot, ho, (((0,), (0,)), ((), ())),
                           preferred_element_type=jnp.float32)
    ones = jnp.ones((N, 1), jnp.float32)
    counts = lax.dot_general(onehot, ones, (((0,), (0,)), ((), ())),
                             preferred_element_type=jnp.float32)
    o_ref[...] = sums / jnp.maximum(counts, 1.0)


def kernel(x, edge_index, batch, W_in, b_in, W1_0, b1_0, W2_0, b2_0,
           W1_1, b1_1, W2_1, b2_1, W_out, b_out):
    pad = EP - E
    src2d = jnp.concatenate(
        [edge_index[0], jnp.zeros((pad,), jnp.int32)]).reshape(NS, STEPS, EC)
    dst2d = jnp.concatenate(
        [edge_index[1], jnp.full((pad,), N, jnp.int32)]).reshape(NS, STEPS, EC)
    zeros_blk = jnp.zeros((ZROWS, HH), jnp.float32)
    batch2d = batch.reshape(N, 1)
    b_in2 = b_in.reshape(1, HID)
    b1_0r, b2_0r = b1_0.reshape(1, HID), b2_0.reshape(1, HID)
    b1_1r, b2_1r = b1_1.reshape(1, HID), b2_1.reshape(1, HID)
    b_out2 = b_out.reshape(1, OUT_DIM)

    h = pl.pallas_call(
        _proj_in_body,
        out_shape=jax.ShapeDtypeStruct((N, HID), jnp.float32),
    )(x, W_in, b_in2)

    p = _sc_agg(h, src2d, dst2d, zeros_blk)

    h = pl.pallas_call(
        _gin_mlp_body,
        out_shape=jax.ShapeDtypeStruct((N, HID), jnp.float32),
    )(h, p, W1_0, b1_0r, W2_0, b2_0r)

    p = _sc_agg(h, src2d, dst2d, zeros_blk)

    out = pl.pallas_call(
        _final_body,
        out_shape=jax.ShapeDtypeStruct((G, OUT_DIM), jnp.float32),
    )(h, p, W1_1, b1_1r, W2_1, b2_1r, W_out, b_out2, batch2d)
    return out

# --- scband reference (transcript-rebuilt; emitter-appended) ---
"""Pipeline reference for scband-ginencoder-84894323572906 (READ-ONLY COPY).

The authoritative reference and input builder live on the scoring server;
editing this copy changes nothing except your own understanding.
"""

import jax, jax.numpy as jnp
import numpy as np

N = 10000
E = 320000
IN_DIM = 128
HID = 64
OUT = 128
G = 64  # number of graphs in the batch


def setup_inputs(seed: int = 0) -> dict:
    key = jax.random.key(seed)
    ks = jax.random.split(key, 16)
    x = jax.random.normal(ks[0], (N, IN_DIM), dtype=jnp.float32)
    edge_index = jax.random.randint(ks[1], (2, E), 0, N, dtype=jnp.int32)
    batch = jnp.sort(jax.random.randint(ks[2], (N,), 0, G, dtype=jnp.int32))
    def lin(k, fan_in, fan_out):
        return jax.random.normal(k, (fan_in, fan_out), dtype=jnp.float32) / np.sqrt(fan_in)
    W_in = lin(ks[3], IN_DIM, HID)
    b_in = jnp.zeros((HID,), jnp.float32)
    W1_0 = lin(ks[4], HID, HID); b1_0 = jnp.zeros((HID,), jnp.float32)
    W2_0 = lin(ks[5], HID, HID); b2_0 = jnp.zeros((HID,), jnp.float32)
    W1_1 = lin(ks[6], HID, HID); b1_1 = jnp.zeros((HID,), jnp.float32)
    W2_1 = lin(ks[7], HID, HID); b2_1 = jnp.zeros((HID,), jnp.float32)
    W_out = lin(ks[8], HID, OUT); b_out = jnp.zeros((OUT,), jnp.float32)
    return {"x": x, "edge_index": edge_index, "batch": batch,
            "W_in": W_in, "b_in": b_in,
            "W1_0": W1_0, "b1_0": b1_0, "W2_0": W2_0, "b2_0": b2_0,
            "W1_1": W1_1, "b1_1": b1_1, "W2_1": W2_1, "b2_1": b2_1,
            "W_out": W_out, "b_out": b_out}


def reference(x, edge_index, batch, W_in, b_in,
              W1_0, b1_0, W2_0, b2_0,
              W1_1, b1_1, W2_1, b2_1,
              W_out, b_out):
    # proj_in
    h = x @ W_in + b_in
    src = edge_index[0]
    dst = edge_index[1]
    # two GINConv layers (eps = 0): out = MLP(x + sum_{j->i} x_j), then ReLU
    for (W1, b1, W2, b2) in ((W1_0, b1_0, W2_0, b2_0), (W1_1, b1_1, W2_1, b2_1)):
        agg = jax.ops.segment_sum(jnp.take(h, src, axis=0), dst, num_segments=N)
        m = h + agg
        m = jnp.maximum(m @ W1 + b1, 0.0) @ W2 + b2
        h = jnp.maximum(m, 0.0)
        # dropout: eval mode -> identity
    # proj_out
    h = h @ W_out + b_out
    # global_mean_pool over batch segments
    sums = jax.ops.segment_sum(h, batch, num_segments=G)
    counts = jax.ops.segment_sum(jnp.ones((N, 1), jnp.float32), batch, num_segments=G)
    graph_emb = sums / jnp.maximum(counts, 1.0)
    return graph_emb

if __name__ == "__main__":
    import jax
    _d = setup_inputs()
    print(jax.jit(kernel)(*tuple(_d.values())))

</pallas_src>

<mosaic_0001>
#map = affine_map<(d0, d1) -> (0, 0)>
#map1 = affine_map<(d0, d1) -> (0, 0, 0)>
module attributes {stable_mosaic.version = 14 : i64} {
  func.func @_sc_agg(%arg0: i32, %arg1: i32, %arg2: memref<10000x64xf32, #tpu.memory_space<hbm>>, %arg3: memref<16x40x512xi32, #tpu.memory_space<hbm>>, %arg4: memref<16x40x512xi32, #tpu.memory_space<hbm>>, %arg5: memref<640x32xf32, #tpu.memory_space<hbm>>, %arg6: memref<10240x64xf32, #tpu.memory_space<hbm>>, %arg7: memref<40x512xi32, #tpu.memory_space<vmem>>, %arg8: memref<40x512xi32, #tpu.memory_space<vmem>>, %arg9: memref<512x32xf32, #tpu.memory_space<vmem>>, %arg10: memref<512x32xf32, #tpu.memory_space<vmem>>, %arg11: memref<10240x32xf32, #tpu.memory_space<vmem_shared>>, %arg12: memref<10000x32xf32, #tpu.memory_space<vmem_shared>>, %arg13: memref<!tpu.dma_semaphore, #tpu.memory_space<semaphore_mem>>, %arg14: memref<!tpu.dma_semaphore, #tpu.memory_space<semaphore_mem>>, %arg15: memref<!tpu.dma_semaphore, #tpu.memory_space<semaphore_mem>>, %arg16: memref<!tpu.dma_semaphore, #tpu.memory_space<semaphore_mem>>) attributes {dimension_semantics = [#tpu.dimension_semantics<core_parallel>, #tpu.dimension_semantics<subcore_parallel>], iteration_bounds = array<i64: 2, 16>, scalar_prefetch = 0 : i64, scratch_operands = 10 : i64, tpu.core_type = #tpu.core_type<sc_vector_subcore>, window_params = [{transform_indices = #map}, {transform_indices = #map1}, {transform_indices = #map1}, {transform_indices = #map}, {transform_indices = #map}]} {
    %mul3A = arith.constant 640 : i32
    %mul3A_0 = arith.muli %arg1, %mul3A : i32
    "tpu.region"() ({
      %run_scoped3A = tpu.sem_alloc : memref<!tpu.dma_semaphore, #tpu.memory_space<semaphore_mem>>
      %dma_start3A_37 = arith.constant 0 : i32
      %dma_start3A_38 = tpu.memref_slice %arg11[%mul3A_0, %dma_start3A_37] : memref<10240x32xf32, #tpu.memory_space<vmem_shared>> -> memref<640x32xf32, #tpu.memory_space<vmem_shared>>
      tpu.enqueue_dma source(%arg5 : memref<640x32xf32, #tpu.memory_space<hbm>>) target(%dma_start3A_38 : memref<640x32xf32, #tpu.memory_space<vmem_shared>>) target_semaphore(%run_scoped3A : memref<!tpu.dma_semaphore, #tpu.memory_space<semaphore_mem>>)
      %dma_wait3A_39 = arith.constant 0 : i32
      %dma_wait3A_40 = tpu.memref_slice %arg11[%mul3A_0, %dma_wait3A_39] : memref<10240x32xf32, #tpu.memory_space<vmem_shared>> -> memref<640x32xf32, #tpu.memory_space<vmem_shared>>
      tpu.wait_dma2 semaphore(%run_scoped3A : memref<!tpu.dma_semaphore, #tpu.memory_space<semaphore_mem>>) src(%arg5 : memref<640x32xf32, #tpu.memory_space<hbm>>) dst(%dma_wait3A_40 : memref<640x32xf32, #tpu.memory_space<vmem_shared>>)
      tpu.yield
    }) : () -> ()
    %mul3A_1 = arith.constant 625 : i32
    %mul3A_2 = arith.muli %arg1, %mul3A_1 : i32
    %mul3A_3 = arith.constant 32 : i32
    %mul3A_4 = arith.muli %arg0, %mul3A_3 : i32
    %mul3A_5 = arith.constant 625 : i32
    %mul3A_6 = arith.muli %arg1, %mul3A_5 : i32
    "tpu.region"() ({
      %run_scoped3A = tpu.sem_alloc : memref<!tpu.dma_semaphore, #tpu.memory_space<semaphore_mem>>
      %dma_start3A_37 = arith.constant 0 : i32
      %dma_start3A_38 = tpu.memref_slice %arg12[%mul3A_6, %dma_start3A_37] : memref<10000x32xf32, #tpu.memory_space<vmem_shared>> -> memref<625x32xf32, #tpu.memory_space<vmem_shared>>
      %dma_start3A_39 = tpu.memref_slice %arg2[%mul3A_2, %mul3A_4] : memref<10000x64xf32, #tpu.memory_space<hbm>> -> memref<625x32xf32, #tpu.memory_space<hbm>>
      tpu.enqueue_dma source(%dma_start3A_39 : memref<625x32xf32, #tpu.memory_space<hbm>>) target(%dma_start3A_38 : memref<625x32xf32, #tpu.memory_space<vmem_shared>>) target_semaphore(%run_scoped3A : memref<!tpu.dma_semaphore, #tpu.memory_space<semaphore_mem>>)
      %dma_wait3A_40 = arith.constant 0 : i32
      %dma_wait3A_41 = tpu.memref_slice %arg12[%mul3A_6, %dma_wait3A_40] : memref<10000x32xf32, #tpu.memory_space<vmem_shared>> -> memref<625x32xf32, #tpu.memory_space<vmem_shared>>
      %dma_wait3A_42 = tpu.memref_slice %arg2[%mul3A_2, %mul3A_4] : memref<10000x64xf32, #tpu.memory_space<hbm>> -> memref<625x32xf32, #tpu.memory_space<hbm>>
      tpu.wait_dma2 semaphore(%run_scoped3A : memref<!tpu.dma_semaphore, #tpu.memory_space<semaphore_mem>>) src(%dma_wait3A_42 : memref<625x32xf32, #tpu.memory_space<hbm>>) dst(%dma_wait3A_41 : memref<625x32xf32, #tpu.memory_space<vmem_shared>>)
      tpu.yield
    }) : () -> ()
    "tpu.region"() ({
      %run_scoped3A = tpu.sem_alloc : memref<!tpu.dma_semaphore, #tpu.memory_space<semaphore_mem>>
      %dma_start3A_37 = arith.constant 0 : i32
      %dma_start3A_38 = arith.constant 0 : i32
      %dma_start3A_39 = tpu.memref_slice %arg3[%arg1, %dma_start3A_37, %dma_start3A_38] : memref<16x40x512xi32, #tpu.memory_space<hbm>> -> memref<1x40x512xi32, #tpu.memory_space<hbm>>
      %dma_start3A_40 = tpu.memref_squeeze %dma_start3A_39 : memref<1x40x512xi32, #tpu.memory_space<hbm>> -> memref<40x512xi32, #tpu.memory_space<hbm>>
      %dma_start3A_41 = arith.constant 0 : i32
      %dma_start3A_42 = arith.constant 0 : i32
      %dma_start3A_43 = tpu.memref_slice %arg3[%arg1, %dma_start3A_41, %dma_start3A_42] : memref<16x40x512xi32, #tpu.memory_space<hbm>> -> memref<1x40x512xi32, #tpu.memory_space<hbm>>
      %dma_start3A_44 = tpu.memref_squeeze %dma_start3A_43 : memref<1x40x512xi32, #tpu.memory_space<hbm>> -> memref<40x512xi32, #tpu.memory_space<hbm>>
      tpu.enqueue_dma source(%dma_start3A_44 : memref<40x512xi32, #tpu.memory_space<hbm>>) target(%arg7 : memref<40x512xi32, #tpu.memory_space<vmem>>) target_semaphore(%run_scoped3A : memref<!tpu.dma_semaphore, #tpu.memory_space<semaphore_mem>>)
      %dma_wait3A_45 = arith.constant 0 : i32
      %dma_wait3A_46 = arith.constant 0 : i32
      %dma_wait3A_47 = tpu.memref_slice %arg3[%arg1, %dma_wait3A_45, %dma_wait3A_46] : memref<16x40x512xi32, #tpu.memory_space<hbm>> -> memref<1x40x512xi32, #tpu.memory_space<hbm>>
      %dma_wait3A_48 = tpu.memref_squeeze %dma_wait3A_47 : memref<1x40x512xi32, #tpu.memory_space<hbm>> -> memref<40x512xi32, #tpu.memory_space<hbm>>
      %dma_wait3A_49 = arith.constant 0 : i32
      %dma_wait3A_50 = arith.constant 0 : i32
      %dma_wait3A_51 = tpu.memref_slice %arg3[%arg1, %dma_wait3A_49, %dma_wait3A_50] : memref<16x40x512xi32, #tpu.memory_space<hbm>> -> memref<1x40x512xi32, #tpu.memory_space<hbm>>
      %dma_wait3A_52 = tpu.memref_squeeze %dma_wait3A_51 : memref<1x40x512xi32, #tpu.memory_space<hbm>> -> memref<40x512xi32, #tpu.memory_space<hbm>>
      tpu.wait_dma2 semaphore(%run_scoped3A : memref<!tpu.dma_semaphore, #tpu.memory_space<semaphore_mem>>) src(%dma_wait3A_52 : memref<40x512xi32, #tpu.memory_space<hbm>>) dst(%arg7 : memref<40x512xi32, #tpu.memory_space<vmem>>)
      tpu.yield
    }) : () -> ()
    "tpu.region"() ({
      %run_scoped3A = tpu.sem_alloc : memref<!tpu.dma_semaphore, #tpu.memory_space<semaphore_mem>>
      %dma_start3A_37 = arith.constant 0 : i32
      %dma_start3A_38 = arith.constant 0 : i32
      %dma_start3A_39 = tpu.memref_slice %arg4[%arg1, %dma_start3A_37, %dma_start3A_38] : memref<16x40x512xi32, #tpu.memory_space<hbm>> -> memref<1x40x512xi32, #tpu.memory_space<hbm>>
      %dma_start3A_40 = tpu.memref_squeeze %dma_start3A_39 : memref<1x40x512xi32, #tpu.memory_space<hbm>> -> memref<40x512xi32, #tpu.memory_space<hbm>>
      %dma_start3A_41 = arith.constant 0 : i32
      %dma_start3A_42 = arith.constant 0 : i32
      %dma_start3A_43 = tpu.memref_slice %arg4[%arg1, %dma_start3A_41, %dma_start3A_42] : memref<16x40x512xi32, #tpu.memory_space<hbm>> -> memref<1x40x512xi32, #tpu.memory_space<hbm>>
      %dma_start3A_44 = tpu.memref_squeeze %dma_start3A_43 : memref<1x40x512xi32, #tpu.memory_space<hbm>> -> memref<40x512xi32, #tpu.memory_space<hbm>>
      tpu.enqueue_dma source(%dma_start3A_44 : memref<40x512xi32, #tpu.memory_space<hbm>>) target(%arg8 : memref<40x512xi32, #tpu.memory_space<vmem>>) target_semaphore(%run_scoped3A : memref<!tpu.dma_semaphore, #tpu.memory_space<semaphore_mem>>)
      %dma_wait3A_45 = arith.constant 0 : i32
      %dma_wait3A_46 = arith.constant 0 : i32
      %dma_wait3A_47 = tpu.memref_slice %arg4[%arg1, %dma_wait3A_45, %dma_wait3A_46] : memref<16x40x512xi32, #tpu.memory_space<hbm>> -> memref<1x40x512xi32, #tpu.memory_space<hbm>>
      %dma_wait3A_48 = tpu.memref_squeeze %dma_wait3A_47 : memref<1x40x512xi32, #tpu.memory_space<hbm>> -> memref<40x512xi32, #tpu.memory_space<hbm>>
      %dma_wait3A_49 = arith.constant 0 : i32
      %dma_wait3A_50 = arith.constant 0 : i32
      %dma_wait3A_51 = tpu.memref_slice %arg4[%arg1, %dma_wait3A_49, %dma_wait3A_50] : memref<16x40x512xi32, #tpu.memory_space<hbm>> -> memref<1x40x512xi32, #tpu.memory_space<hbm>>
      %dma_wait3A_52 = tpu.memref_squeeze %dma_wait3A_51 : memref<1x40x512xi32, #tpu.memory_space<hbm>> -> memref<40x512xi32, #tpu.memory_space<hbm>>
      tpu.wait_dma2 semaphore(%run_scoped3A : memref<!tpu.dma_semaphore, #tpu.memory_space<semaphore_mem>>) src(%dma_wait3A_52 : memref<40x512xi32, #tpu.memory_space<hbm>>) dst(%arg8 : memref<40x512xi32, #tpu.memory_space<vmem>>)
      tpu.yield
    }) : () -> ()
    %barrier3A = arith.constant 0 : index
    tpu.barrier barrier_id(%barrier3A)
    %dma_start3A = arith.constant 0 : i32
    %dma_start3A_7 = arith.constant 0 : i32
    %dma_start3A_8 = tpu.memref_slice %arg7[%dma_start3A, %dma_start3A_7] : memref<40x512xi32, #tpu.memory_space<vmem>> -> memref<1x512xi32, #tpu.memory_space<vmem>>
    %dma_start3A_9 = tpu.memref_squeeze %dma_start3A_8 : memref<1x512xi32, #tpu.memory_space<vmem>> -> memref<512xi32, #tpu.memory_space<vmem>>
    %dma_start3A_10 = arith.constant 0 : i32
    %dma_start3A_11 = arith.constant 0 : i32
    %dma_start3A_12 = tpu.memref_slice %arg12[%dma_start3A_10, %dma_start3A_11] : memref<10000x32xf32, #tpu.memory_space<vmem_shared>> -> memref<10000x32xf32, #tpu.memory_space<vmem_shared>>
    tpu.enqueue_indirect_dma source(%dma_start3A_12 : memref<10000x32xf32, #tpu.memory_space<vmem_shared>>) target(%arg9 : memref<512x32xf32, #tpu.memory_space<vmem>>) offsets(%dma_start3A_9 : memref<512xi32, #tpu.memory_space<vmem>>) semaphore(%arg13 : memref<!tpu.dma_semaphore, #tpu.memory_space<semaphore_mem>>)
    %scan3A = arith.constant 0 : i32
    %scan3A_13 = arith.constant 20 : i32
    %scan3A_14 = arith.addi %scan3A, %scan3A_13 : i32
    %scan3A_15 = arith.constant 1 : i32
    scf.for %scan3A_37 = %scan3A to %scan3A_14 step %scan3A_15  : i32 {
      %mul3A_38 = arith.constant 2 : i32
      %mul3A_39 = arith.muli %scan3A_37, %mul3A_38 : i32
      %add3A = arith.constant 0 : i32
      %add3A_40 = arith.addi %add3A, %mul3A_39 : i32
      %dma_wait3A_41 = arith.constant 0 : i32
      %dma_wait3A_42 = tpu.memref_slice %arg7[%add3A_40, %dma_wait3A_41] : memref<40x512xi32, #tpu.memory_space<vmem>> -> memref<1x512xi32, #tpu.memory_space<vmem>>
      %dma_wait3A_43 = tpu.memref_squeeze %dma_wait3A_42 : memref<1x512xi32, #tpu.memory_space<vmem>> -> memref<512xi32, #tpu.memory_space<vmem>>
      %dma_wait3A_44 = arith.constant 0 : i32
      %dma_wait3A_45 = arith.constant 0 : i32
      %dma_wait3A_46 = tpu.memref_slice %arg12[%dma_wait3A_44, %dma_wait3A_45] : memref<10000x32xf32, #tpu.memory_space<vmem_shared>> -> memref<10000x32xf32, #tpu.memory_space<vmem_shared>>
      tpu.wait_indirect_dma semaphore(%arg13 : memref<!tpu.dma_semaphore, #tpu.memory_space<semaphore_mem>>) src(%dma_wait3A_46 : memref<10000x32xf32, #tpu.memory_space<vmem_shared>>) dst(%arg9 : memref<512x32xf32, #tpu.memory_space<vmem>>)
      %ge3A = arith.constant 1 : i32
      %ge3A_47 = arith.cmpi sge, %add3A_40, %ge3A : i32
      %convert_element_type3A = arith.extui %ge3A_47 : i1 to i32
      %cond3A = arith.constant 0 : i32
      %cond3A_48 = arith.cmpi ne, %convert_element_type3A, %cond3A : i32
      scf.if %cond3A_48 {
        %sub3A = arith.constant 1 : i32
        %sub3A_85 = arith.subi %add3A_40, %sub3A : i32
        %dma_wait3A_86 = arith.constant 0 : i32
        %dma_wait3A_87 = tpu.memref_slice %arg8[%sub3A_85, %dma_wait3A_86] : memref<40x512xi32, #tpu.memory_space<vmem>> -> memref<1x512xi32, #tpu.memory_space<vmem>>
        %dma_wait3A_88 = tpu.memref_squeeze %dma_wait3A_87 : memref<1x512xi32, #tpu.memory_space<vmem>> -> memref<512xi32, #tpu.memory_space<vmem>>
        %dma_wait3A_89 = arith.constant 0 : i32
        %dma_wait3A_90 = arith.constant 0 : i32
        %dma_wait3A_91 = tpu.memref_slice %arg11[%dma_wait3A_89, %dma_wait3A_90] : memref<10240x32xf32, #tpu.memory_space<vmem_shared>> -> memref<10240x32xf32, #tpu.memory_space<vmem_shared>>
        tpu.wait_indirect_dma semaphore(%arg16 : memref<!tpu.dma_semaphore, #tpu.memory_space<semaphore_mem>>) src(%arg10 : memref<512x32xf32, #tpu.memory_space<vmem>>) dst(%dma_wait3A_91 : memref<10240x32xf32, #tpu.memory_space<vmem_shared>>)
      } else {
      }
      %add3A_49 = arith.constant 1 : i32
      %add3A_50 = arith.addi %add3A_40, %add3A_49 : i32
      %dma_start3A_51 = arith.constant 0 : i32
      %dma_start3A_52 = tpu.memref_slice %arg7[%add3A_50, %dma_start3A_51] : memref<40x512xi32, #tpu.memory_space<vmem>> -> memref<1x512xi32, #tpu.memory_space<vmem>>
      %dma_start3A_53 = tpu.memref_squeeze %dma_start3A_52 : memref<1x512xi32, #tpu.memory_space<vmem>> -> memref<512xi32, #tpu.memory_space<vmem>>
      %dma_start3A_54 = arith.constant 0 : i32
      %dma_start3A_55 = arith.constant 0 : i32
      %dma_start3A_56 = tpu.memref_slice %arg12[%dma_start3A_54, %dma_start3A_55] : memref<10000x32xf32, #tpu.memory_space<vmem_shared>> -> memref<10000x32xf32, #tpu.memory_space<vmem_shared>>
      tpu.enqueue_indirect_dma source(%dma_start3A_56 : memref<10000x32xf32, #tpu.memory_space<vmem_shared>>) target(%arg10 : memref<512x32xf32, #tpu.memory_space<vmem>>) offsets(%dma_start3A_53 : memref<512xi32, #tpu.memory_space<vmem>>) semaphore(%arg14 : memref<!tpu.dma_semaphore, #tpu.memory_space<semaphore_mem>>)
      %dma_start3A_57 = arith.constant 0 : i32
      %dma_start3A_58 = tpu.memref_slice %arg8[%add3A_40, %dma_start3A_57] : memref<40x512xi32, #tpu.memory_space<vmem>> -> memref<1x512xi32, #tpu.memory_space<vmem>>
      %dma_start3A_59 = tpu.memref_squeeze %dma_start3A_58 : memref<1x512xi32, #tpu.memory_space<vmem>> -> memref<512xi32, #tpu.memory_space<vmem>>
      %dma_start3A_60 = arith.constant 0 : i32
      %dma_start3A_61 = arith.constant 0 : i32
      %dma_start3A_62 = tpu.memref_slice %arg11[%dma_start3A_60, %dma_start3A_61] : memref<10240x32xf32, #tpu.memory_space<vmem_shared>> -> memref<10240x32xf32, #tpu.memory_space<vmem_shared>>
      tpu.enqueue_indirect_dma source(%arg9 : memref<512x32xf32, #tpu.memory_space<vmem>>) target(%dma_start3A_62 : memref<10240x32xf32, #tpu.memory_space<vmem_shared>>) offsets(%dma_start3A_59 : memref<512xi32, #tpu.memory_space<vmem>>) semaphore(%arg15 : memref<!tpu.dma_semaphore, #tpu.memory_space<semaphore_mem>>) {add = true}
      %add3A_63 = arith.constant 1 : i32
      %add3A_64 = arith.addi %add3A_40, %add3A_63 : i32
      %dma_wait3A_65 = arith.constant 0 : i32
      %dma_wait3A_66 = tpu.memref_slice %arg7[%add3A_64, %dma_wait3A_65] : memref<40x512xi32, #tpu.memory_space<vmem>> -> memref<1x512xi32, #tpu.memory_space<vmem>>
      %dma_wait3A_67 = tpu.memref_squeeze %dma_wait3A_66 : memref<1x512xi32, #tpu.memory_space<vmem>> -> memref<512xi32, #tpu.memory_space<vmem>>
      %dma_wait3A_68 = arith.constant 0 : i32
      %dma_wait3A_69 = arith.constant 0 : i32
      %dma_wait3A_70 = tpu.memref_slice %arg12[%dma_wait3A_68, %dma_wait3A_69] : memref<10000x32xf32, #tpu.memory_space<vmem_shared>> -> memref<10000x32xf32, #tpu.memory_space<vmem_shared>>
      tpu.wait_indirect_dma semaphore(%arg14 : memref<!tpu.dma_semaphore, #tpu.memory_space<semaphore_mem>>) src(%dma_wait3A_70 : memref<10000x32xf32, #tpu.memory_space<vmem_shared>>) dst(%arg10 : memref<512x32xf32, #tpu.memory_space<vmem>>)
      %add3A_71 = arith.constant 2 : i32
      %add3A_72 = arith.addi %add3A_40, %add3A_71 : i32
      %lt3A = arith.constant 40 : i32
      %lt3A_73 = arith.cmpi slt, %add3A_72, %lt3A : i32
      %convert_element_type3A_74 = arith.extui %lt3A_73 : i1 to i32
      %cond3A_75 = arith.constant 0 : i32
      %cond3A_76 = arith.cmpi ne, %convert_element_type3A_74, %cond3A_75 : i32
      scf.if %cond3A_76 {
        %dma_wait3A_85 = arith.constant 0 : i32
        %dma_wait3A_86 = tpu.memref_slice %arg8[%add3A_40, %dma_wait3A_85] : memref<40x512xi32, #tpu.memory_space<vmem>> -> memref<1x512xi32, #tpu.memory_space<vmem>>
        %dma_wait3A_87 = tpu.memref_squeeze %dma_wait3A_86 : memref<1x512xi32, #tpu.memory_space<vmem>> -> memref<512xi32, #tpu.memory_space<vmem>>
        %dma_wait3A_88 = arith.constant 0 : i32
        %dma_wait3A_89 = arith.constant 0 : i32
        %dma_wait3A_90 = tpu.memref_slice %arg11[%dma_wait3A_88, %dma_wait3A_89] : memref<10240x32xf32, #tpu.memory_space<vmem_shared>> -> memref<10240x32xf32, #tpu.memory_space<vmem_shared>>
        tpu.wait_indirect_dma semaphore(%arg15 : memref<!tpu.dma_semaphore, #tpu.memory_space<semaphore_mem>>) src(%arg9 : memref<512x32xf32, #tpu.memory_space<vmem>>) dst(%dma_wait3A_90 : memref<10240x32xf32, #tpu.memory_space<vmem_shared>>)
        %add3A_91 = arith.constant 2 : i32
        %add3A_92 = arith.addi %add3A_40, %add3A_91 : i32
        %dma_start3A_93 = arith.constant 0 : i32
        %dma_start3A_94 = tpu.memref_slice %arg7[%add3A_92, %dma_start3A_93] : memref<40x512xi32, #tpu.memory_space<vmem>> -> memref<1x512xi32, #tpu.memory_space<vmem>>
        %dma_start3A_95 = tpu.memref_squeeze %dma_start3A_94 : memref<1x512xi32, #tpu.memory_space<vmem>> -> memref<512xi32, #tpu.memory_space<vmem>>
        %dma_start3A_96 = arith.constant 0 : i32
        %dma_start3A_97 = arith.constant 0 : i32
        %dma_start3A_98 = tpu.memref_slice %arg12[%dma_start3A_96, %dma_start3A_97] : memref<10000x32xf32, #tpu.memory_space<vmem_shared>> -> memref<10000x32xf32, #tpu.memory_space<vmem_shared>>
        tpu.enqueue_indirect_dma source(%dma_start3A_98 : memref<10000x32xf32, #tpu.memory_space<vmem_shared>>) target(%arg9 : memref<512x32xf32, #tpu.memory_space<vmem>>) offsets(%dma_start3A_95 : memref<512xi32, #tpu.memory_space<vmem>>) semaphore(%arg13 : memref<!tpu.dma_semaphore, #tpu.memory_space<semaphore_mem>>)
      } else {
      }
      %add3A_77 = arith.constant 1 : i32
      %add3A_78 = arith.addi %add3A_40, %add3A_77 : i32
      %dma_start3A_79 = arith.constant 0 : i32
      %dma_start3A_80 = tpu.memref_slice %arg8[%add3A_78, %dma_start3A_79] : memref<40x512xi32, #tpu.memory_space<vmem>> -> memref<1x512xi32, #tpu.memory_space<vmem>>
      %dma_start3A_81 = tpu.memref_squeeze %dma_start3A_80 : memref<1x512xi32, #tpu.memory_space<vmem>> -> memref<512xi32, #tpu.memory_space<vmem>>
      %dma_start3A_82 = arith.constant 0 : i32
      %dma_start3A_83 = arith.constant 0 : i32
      %dma_start3A_84 = tpu.memref_slice %arg11[%dma_start3A_82, %dma_start3A_83] : memref<10240x32xf32, #tpu.memory_space<vmem_shared>> -> memref<10240x32xf32, #tpu.memory_space<vmem_shared>>
      tpu.enqueue_indirect_dma source(%arg10 : memref<512x32xf32, #tpu.memory_space<vmem>>) target(%dma_start3A_84 : memref<10240x32xf32, #tpu.memory_space<vmem_shared>>) offsets(%dma_start3A_81 : memref<512xi32, #tpu.memory_space<vmem>>) semaphore(%arg16 : memref<!tpu.dma_semaphore, #tpu.memory_space<semaphore_mem>>) {add = true}
    }
    %scan3A_16 = arith.constant 20 : i32
    %dma_wait3A = arith.constant 38 : i32
    %dma_wait3A_17 = arith.constant 0 : i32
    %dma_wait3A_18 = tpu.memref_slice %arg8[%dma_wait3A, %dma_wait3A_17] : memref<40x512xi32, #tpu.memory_space<vmem>> -> memref<1x512xi32, #tpu.memory_space<vmem>>
    %dma_wait3A_19 = tpu.memref_squeeze %dma_wait3A_18 : memref<1x512xi32, #tpu.memory_space<vmem>> -> memref<512xi32, #tpu.memory_space<vmem>>
    %dma_wait3A_20 = arith.constant 0 : i32
    %dma_wait3A_21 = arith.constant 0 : i32
    %dma_wait3A_22 = tpu.memref_slice %arg11[%dma_wait3A_20, %dma_wait3A_21] : memref<10240x32xf32, #tpu.memory_space<vmem_shared>> -> memref<10240x32xf32, #tpu.memory_space<vmem_shared>>
    tpu.wait_indirect_dma semaphore(%arg15 : memref<!tpu.dma_semaphore, #tpu.memory_space<semaphore_mem>>) src(%arg9 : memref<512x32xf32, #tpu.memory_space<vmem>>) dst(%dma_wait3A_22 : memref<10240x32xf32, #tpu.memory_space<vmem_shared>>)
    %dma_wait3A_23 = arith.constant 39 : i32
    %dma_wait3A_24 = arith.constant 0 : i32
    %dma_wait3A_25 = tpu.memref_slice %arg8[%dma_wait3A_23, %dma_wait3A_24] : memref<40x512xi32, #tpu.memory_space<vmem>> -> memref<1x512xi32, #tpu.memory_space<vmem>>
    %dma_wait3A_26 = tpu.memref_squeeze %dma_wait3A_25 : memref<1x512xi32, #tpu.memory_space<vmem>> -> memref<512xi32, #tpu.memory_space<vmem>>
    %dma_wait3A_27 = arith.constant 0 : i32
    %dma_wait3A_28 = arith.constant 0 : i32
    %dma_wait3A_29 = tpu.memref_slice %arg11[%dma_wait3A_27, %dma_wait3A_28] : memref<10240x32xf32, #tpu.memory_space<vmem_shared>> -> memref<10240x32xf32, #tpu.memory_space<vmem_shared>>
    tpu.wait_indirect_dma semaphore(%arg16 : memref<!tpu.dma_semaphore, #tpu.memory_space<semaphore_mem>>) src(%arg10 : memref<512x32xf32, #tpu.memory_space<vmem>>) dst(%dma_wait3A_29 : memref<10240x32xf32, #tpu.memory_space<vmem_shared>>)
    %barrier3A_30 = arith.constant 0 : index
    tpu.barrier barrier_id(%barrier3A_30)
    %mul3A_31 = arith.constant 640 : i32
    %mul3A_32 = arith.muli %arg1, %mul3A_31 : i32
    %mul3A_33 = arith.constant 640 : i32
    %mul3A_34 = arith.muli %arg1, %mul3A_33 : i32
    %mul3A_35 = arith.constant 32 : i32
    %mul3A_36 = arith.muli %arg0, %mul3A_35 : i32
    "tpu.region"() ({
      %run_scoped3A = tpu.sem_alloc : memref<!tpu.dma_semaphore, #tpu.memory_space<semaphore_mem>>
      %dma_start3A_37 = tpu.memref_slice %arg6[%mul3A_34, %mul3A_36] : memref<10240x64xf32, #tpu.memory_space<hbm>> -> memref<640x32xf32, #tpu.memory_space<hbm>>
      %dma_start3A_38 = arith.constant 0 : i32
      %dma_start3A_39 = tpu.memref_slice %arg11[%mul3A_32, %dma_start3A_38] : memref<10240x32xf32, #tpu.memory_space<vmem_shared>> -> memref<640x32xf32, #tpu.memory_space<vmem_shared>>
      tpu.enqueue_dma source(%dma_start3A_39 : memref<640x32xf32, #tpu.memory_space<vmem_shared>>) target(%dma_start3A_37 : memref<640x32xf32, #tpu.memory_space<hbm>>) target_semaphore(%run_scoped3A : memref<!tpu.dma_semaphore, #tpu.memory_space<semaphore_mem>>)
      %dma_wait3A_40 = tpu.memref_slice %arg6[%mul3A_34, %mul3A_36] : memref<10240x64xf32, #tpu.memory_space<hbm>> -> memref<640x32xf32, #tpu.memory_space<hbm>>
      %dma_wait3A_41 = arith.constant 0 : i32
      %dma_wait3A_42 = tpu.memref_slice %arg11[%mul3A_32, %dma_wait3A_41] : memref<10240x32xf32, #tpu.memory_space<vmem_shared>> -> memref<640x32xf32, #tpu.memory_space<vmem_shared>>
      tpu.wait_dma2 semaphore(%run_scoped3A : memref<!tpu.dma_semaphore, #tpu.memory_space<semaphore_mem>>) src(%dma_wait3A_42 : memref<640x32xf32, #tpu.memory_space<vmem_shared>>) dst(%dma_wait3A_40 : memref<640x32xf32, #tpu.memory_space<hbm>>)
      tpu.yield
    }) : () -> ()
    return
  }
}

#map = affine_map<(d0, d1) -> (0, 0)>
#map1 = affine_map<(d0, d1) -> (0, 0, 0)>
module attributes {stable_mosaic.version = 14 : i64} {
  func.func @_sc_agg(%arg0: i32, %arg1: i32, %arg2: memref<10000x64xf32, #tpu.memory_space<hbm>>, %arg3: memref<16x40x512xi32, #tpu.memory_space<hbm>>, %arg4: memref<16x40x512xi32, #tpu.memory_space<hbm>>, %arg5: memref<640x32xf32, #tpu.memory_space<hbm>>, %arg6: memref<10240x64xf32, #tpu.memory_space<hbm>>, %arg7: memref<40x512xi32, #tpu.memory_space<vmem>>, %arg8: memref<40x512xi32, #tpu.memory_space<vmem>>, %arg9: memref<512x32xf32, #tpu.memory_space<vmem>>, %arg10: memref<512x32xf32, #tpu.memory_space<vmem>>, %arg11: memref<10240x32xf32, #tpu.memory_space<vmem_shared>>, %arg12: memref<10000x32xf32, #tpu.memory_space<vmem_shared>>, %arg13: memref<!tpu.dma_semaphore, #tpu.memory_space<semaphore_mem>>, %arg14: memref<!tpu.dma_semaphore, #tpu.memory_space<semaphore_mem>>, %arg15: memref<!tpu.dma_semaphore, #tpu.memory_space<semaphore_mem>>, %arg16: memref<!tpu.dma_semaphore, #tpu.memory_space<semaphore_mem>>) attributes {dimension_semantics = [#tpu.dimension_semantics<core_parallel>, #tpu.dimension_semantics<subcore_parallel>], iteration_bounds = array<i64: 2, 16>, scalar_prefetch = 0 : i64, scratch_operands = 10 : i64, tpu.core_type = #tpu.core_type<sc_vector_subcore>, window_params = [{transform_indices = #map}, {transform_indices = #map1}, {transform_indices = #map1}, {transform_indices = #map}, {transform_indices = #map}]} {
    %mul3A = arith.constant 640 : i32
    %mul3A_0 = arith.muli %arg1, %mul3A : i32
    "tpu.region"() ({
      %run_scoped3A = tpu.sem_alloc : memref<!tpu.dma_semaphore, #tpu.memory_space<semaphore_mem>>
      %dma_start3A_37 = arith.constant 0 : i32
      %dma_start3A_38 = tpu.memref_slice %arg11[%mul3A_0, %dma_start3A_37] : memref<10240x32xf32, #tpu.memory_space<vmem_shared>> -> memref<640x32xf32, #tpu.memory_space<vmem_shared>>
      tpu.enqueue_dma source(%arg5 : memref<640x32xf32, #tpu.memory_space<hbm>>) target(%dma_start3A_38 : memref<640x32xf32, #tpu.memory_space<vmem_shared>>) target_semaphore(%run_scoped3A : memref<!tpu.dma_semaphore, #tpu.memory_space<semaphore_mem>>)
      %dma_wait3A_39 = arith.constant 0 : i32
      %dma_wait3A_40 = tpu.memref_slice %arg11[%mul3A_0, %dma_wait3A_39] : memref<10240x32xf32, #tpu.memory_space<vmem_shared>> -> memref<640x32xf32, #tpu.memory_space<vmem_shared>>
      tpu.wait_dma2 semaphore(%run_scoped3A : memref<!tpu.dma_semaphore, #tpu.memory_space<semaphore_mem>>) src(%arg5 : memref<640x32xf32, #tpu.memory_space<hbm>>) dst(%dma_wait3A_40 : memref<640x32xf32, #tpu.memory_space<vmem_shared>>)
      tpu.yield
    }) : () -> ()
    %mul3A_1 = arith.constant 625 : i32
    %mul3A_2 = arith.muli %arg1, %mul3A_1 : i32
    %mul3A_3 = arith.constant 32 : i32
    %mul3A_4 = arith.muli %arg0, %mul3A_3 : i32
    %mul3A_5 = arith.constant 625 : i32
    %mul3A_6 = arith.muli %arg1, %mul3A_5 : i32
    "tpu.region"() ({
      %run_scoped3A = tpu.sem_alloc : memref<!tpu.dma_semaphore, #tpu.memory_space<semaphore_mem>>
      %dma_start3A_37 = arith.constant 0 : i32
      %dma_start3A_38 = tpu.memref_slice %arg12[%mul3A_6, %dma_start3A_37] : memref<10000x32xf32, #tpu.memory_space<vmem_shared>> -> memref<625x32xf32, #tpu.memory_space<vmem_shared>>
      %dma_start3A_39 = tpu.memref_slice %arg2[%mul3A_2, %mul3A_4] : memref<10000x64xf32, #tpu.memory_space<hbm>> -> memref<625x32xf32, #tpu.memory_space<hbm>>
      tpu.enqueue_dma source(%dma_start3A_39 : memref<625x32xf32, #tpu.memory_space<hbm>>) target(%dma_start3A_38 : memref<625x32xf32, #tpu.memory_space<vmem_shared>>) target_semaphore(%run_scoped3A : memref<!tpu.dma_semaphore, #tpu.memory_space<semaphore_mem>>)
      %dma_wait3A_40 = arith.constant 0 : i32
      %dma_wait3A_41 = tpu.memref_slice %arg12[%mul3A_6, %dma_wait3A_40] : memref<10000x32xf32, #tpu.memory_space<vmem_shared>> -> memref<625x32xf32, #tpu.memory_space<vmem_shared>>
      %dma_wait3A_42 = tpu.memref_slice %arg2[%mul3A_2, %mul3A_4] : memref<10000x64xf32, #tpu.memory_space<hbm>> -> memref<625x32xf32, #tpu.memory_space<hbm>>
      tpu.wait_dma2 semaphore(%run_scoped3A : memref<!tpu.dma_semaphore, #tpu.memory_space<semaphore_mem>>) src(%dma_wait3A_42 : memref<625x32xf32, #tpu.memory_space<hbm>>) dst(%dma_wait3A_41 : memref<625x32xf32, #tpu.memory_space<vmem_shared>>)
      tpu.yield
    }) : () -> ()
    "tpu.region"() ({
      %run_scoped3A = tpu.sem_alloc : memref<!tpu.dma_semaphore, #tpu.memory_space<semaphore_mem>>
      %dma_start3A_37 = arith.constant 0 : i32
      %dma_start3A_38 = arith.constant 0 : i32
      %dma_start3A_39 = tpu.memref_slice %arg3[%arg1, %dma_start3A_37, %dma_start3A_38] : memref<16x40x512xi32, #tpu.memory_space<hbm>> -> memref<1x40x512xi32, #tpu.memory_space<hbm>>
      %dma_start3A_40 = tpu.memref_squeeze %dma_start3A_39 : memref<1x40x512xi32, #tpu.memory_space<hbm>> -> memref<40x512xi32, #tpu.memory_space<hbm>>
      %dma_start3A_41 = arith.constant 0 : i32
      %dma_start3A_42 = arith.constant 0 : i32
      %dma_start3A_43 = tpu.memref_slice %arg3[%arg1, %dma_start3A_41, %dma_start3A_42] : memref<16x40x512xi32, #tpu.memory_space<hbm>> -> memref<1x40x512xi32, #tpu.memory_space<hbm>>
      %dma_start3A_44 = tpu.memref_squeeze %dma_start3A_43 : memref<1x40x512xi32, #tpu.memory_space<hbm>> -> memref<40x512xi32, #tpu.memory_space<hbm>>
      tpu.enqueue_dma source(%dma_start3A_44 : memref<40x512xi32, #tpu.memory_space<hbm>>) target(%arg7 : memref<40x512xi32, #tpu.memory_space<vmem>>) target_semaphore(%run_scoped3A : memref<!tpu.dma_semaphore, #tpu.memory_space<semaphore_mem>>)
      %dma_wait3A_45 = arith.constant 0 : i32
      %dma_wait3A_46 = arith.constant 0 : i32
      %dma_wait3A_47 = tpu.memref_slice %arg3[%arg1, %dma_wait3A_45, %dma_wait3A_46] : memref<16x40x512xi32, #tpu.memory_space<hbm>> -> memref<1x40x512xi32, #tpu.memory_space<hbm>>
      %dma_wait3A_48 = tpu.memref_squeeze %dma_wait3A_47 : memref<1x40x512xi32, #tpu.memory_space<hbm>> -> memref<40x512xi32, #tpu.memory_space<hbm>>
      %dma_wait3A_49 = arith.constant 0 : i32
      %dma_wait3A_50 = arith.constant 0 : i32
      %dma_wait3A_51 = tpu.memref_slice %arg3[%arg1, %dma_wait3A_49, %dma_wait3A_50] : memref<16x40x512xi32, #tpu.memory_space<hbm>> -> memref<1x40x512xi32, #tpu.memory_space<hbm>>
      %dma_wait3A_52 = tpu.memref_squeeze %dma_wait3A_51 : memref<1x40x512xi32, #tpu.memory_space<hbm>> -> memref<40x512xi32, #tpu.memory_space<hbm>>
      tpu.wait_dma2 semaphore(%run_scoped3A : memref<!tpu.dma_semaphore, #tpu.memory_space<semaphore_mem>>) src(%dma_wait3A_52 : memref<40x512xi32, #tpu.memory_space<hbm>>) dst(%arg7 : memref<40x512xi32, #tpu.memory_space<vmem>>)
      tpu.yield
    }) : () -> ()
    "tpu.region"() ({
      %run_scoped3A = tpu.sem_alloc : memref<!tpu.dma_semaphore, #tpu.memory_space<semaphore_mem>>
      %dma_start3A_37 = arith.constant 0 : i32
      %dma_start3A_38 = arith.constant 0 : i32
      %dma_start3A_39 = tpu.memref_slice %arg4[%arg1, %dma_start3A_37, %dma_start3A_38] : memref<16x40x512xi32, #tpu.memory_space<hbm>> -> memref<1x40x512xi32, #tpu.memory_space<hbm>>
      %dma_start3A_40 = tpu.memref_squeeze %dma_start3A_39 : memref<1x40x512xi32, #tpu.memory_space<hbm>> -> memref<40x512xi32, #tpu.memory_space<hbm>>
      %dma_start3A_41 = arith.constant 0 : i32
      %dma_start3A_42 = arith.constant 0 : i32
      %dma_start3A_43 = tpu.memref_slice %arg4[%arg1, %dma_start3A_41, %dma_start3A_42] : memref<16x40x512xi32, #tpu.memory_space<hbm>> -> memref<1x40x512xi32, #tpu.memory_space<hbm>>
      %dma_start3A_44 = tpu.memref_squeeze %dma_start3A_43 : memref<1x40x512xi32, #tpu.memory_space<hbm>> -> memref<40x512xi32, #tpu.memory_space<hbm>>
      tpu.enqueue_dma source(%dma_start3A_44 : memref<40x512xi32, #tpu.memory_space<hbm>>) target(%arg8 : memref<40x512xi32, #tpu.memory_space<vmem>>) target_semaphore(%run_scoped3A : memref<!tpu.dma_semaphore, #tpu.memory_space<semaphore_mem>>)
      %dma_wait3A_45 = arith.constant 0 : i32
      %dma_wait3A_46 = arith.constant 0 : i32
      %dma_wait3A_47 = tpu.memref_slice %arg4[%arg1, %dma_wait3A_45, %dma_wait3A_46] : memref<16x40x512xi32, #tpu.memory_space<hbm>> -> memref<1x40x512xi32, #tpu.memory_space<hbm>>
      %dma_wait3A_48 = tpu.memref_squeeze %dma_wait3A_47 : memref<1x40x512xi32, #tpu.memory_space<hbm>> -> memref<40x512xi32, #tpu.memory_space<hbm>>
      %dma_wait3A_49 = arith.constant 0 : i32
      %dma_wait3A_50 = arith.constant 0 : i32
      %dma_wait3A_51 = tpu.memref_slice %arg4[%arg1, %dma_wait3A_49, %dma_wait3A_50] : memref<16x40x512xi32, #tpu.memory_space<hbm>> -> memref<1x40x512xi32, #tpu.memory_space<hbm>>
      %dma_wait3A_52 = tpu.memref_squeeze %dma_wait3A_51 : memref<1x40x512xi32, #tpu.memory_space<hbm>> -> memref<40x512xi32, #tpu.memory_space<hbm>>
      tpu.wait_dma2 semaphore(%run_scoped3A : memref<!tpu.dma_semaphore, #tpu.memory_space<semaphore_mem>>) src(%dma_wait3A_52 : memref<40x512xi32, #tpu.memory_space<hbm>>) dst(%arg8 : memref<40x512xi32, #tpu.memory_space<vmem>>)
      tpu.yield
    }) : () -> ()
    %barrier3A = arith.constant 0 : index
    tpu.barrier barrier_id(%barrier3A)
    %dma_start3A = arith.constant 0 : i32
    %dma_start3A_7 = arith.constant 0 : i32
    %dma_start3A_8 = tpu.memref_slice %arg7[%dma_start3A, %dma_start3A_7] : memref<40x512xi32, #tpu.memory_space<vmem>> -> memref<1x512xi32, #tpu.memory_space<vmem>>
    %dma_start3A_9 = tpu.memref_squeeze %dma_start3A_8 : memref<1x512xi32, #tpu.memory_space<vmem>> -> memref<512xi32, #tpu.memory_space<vmem>>
    %dma_start3A_10 = arith.constant 0 : i32
    %dma_start3A_11 = arith.constant 0 : i32
    %dma_start3A_12 = tpu.memref_slice %arg12[%dma_start3A_10, %dma_start3A_11] : memref<10000x32xf32, #tpu.memory_space<vmem_shared>> -> memref<10000x32xf32, #tpu.memory_space<vmem_shared>>
    tpu.enqueue_indirect_dma source(%dma_start3A_12 : memref<10000x32xf32, #tpu.memory_space<vmem_shared>>) target(%arg9 : memref<512x32xf32, #tpu.memory_space<vmem>>) offsets(%dma_start3A_9 : memref<512xi32, #tpu.memory_space<vmem>>) semaphore(%arg13 : memref<!tpu.dma_semaphore, #tpu.memory_space<semaphore_mem>>)
    %scan3A = arith.constant 0 : i32
    %scan3A_13 = arith.constant 20 : i32
    %scan3A_14 = arith.addi %scan3A, %scan3A_13 : i32
    %scan3A_15 = arith.constant 1 : i32
    scf.for %scan3A_37 = %scan3A to %scan3A_14 step %scan3A_15  : i32 {
      %mul3A_38 = arith.constant 2 : i32
      %mul3A_39 = arith.muli %scan3A_37, %mul3A_38 : i32
      %add3A = arith.constant 0 : i32
      %add3A_40 = arith.addi %add3A, %mul3A_39 : i32
      %dma_wait3A_41 = arith.constant 0 : i32
      %dma_wait3A_42 = tpu.memref_slice %arg7[%add3A_40, %dma_wait3A_41] : memref<40x512xi32, #tpu.memory_space<vmem>> -> memref<1x512xi32, #tpu.memory_space<vmem>>
      %dma_wait3A_43 = tpu.memref_squeeze %dma_wait3A_42 : memref<1x512xi32, #tpu.memory_space<vmem>> -> memref<512xi32, #tpu.memory_space<vmem>>
      %dma_wait3A_44 = arith.constant 0 : i32
      %dma_wait3A_45 = arith.constant 0 : i32
      %dma_wait3A_46 = tpu.memref_slice %arg12[%dma_wait3A_44, %dma_wait3A_45] : memref<10000x32xf32, #tpu.memory_space<vmem_shared>> -> memref<10000x32xf32, #tpu.memory_space<vmem_shared>>
      tpu.wait_indirect_dma semaphore(%arg13 : memref<!tpu.dma_semaphore, #tpu.memory_space<semaphore_mem>>) src(%dma_wait3A_46 : memref<10000x32xf32, #tpu.memory_space<vmem_shared>>) dst(%arg9 : memref<512x32xf32, #tpu.memory_space<vmem>>)
      %ge3A = arith.constant 1 : i32
      %ge3A_47 = arith.cmpi sge, %add3A_40, %ge3A : i32
      %convert_element_type3A = arith.extui %ge3A_47 : i1 to i32
      %cond3A = arith.constant 0 : i32
      %cond3A_48 = arith.cmpi ne, %convert_element_type3A, %cond3A : i32
      scf.if %cond3A_48 {
        %sub3A = arith.constant 1 : i32
        %sub3A_85 = arith.subi %add3A_40, %sub3A : i32
        %dma_wait3A_86 = arith.constant 0 : i32
        %dma_wait3A_87 = tpu.memref_slice %arg8[%sub3A_85, %dma_wait3A_86] : memref<40x512xi32, #tpu.memory_space<vmem>> -> memref<1x512xi32, #tpu.memory_space<vmem>>
        %dma_wait3A_88 = tpu.memref_squeeze %dma_wait3A_87 : memref<1x512xi32, #tpu.memory_space<vmem>> -> memref<512xi32, #tpu.memory_space<vmem>>
        %dma_wait3A_89 = arith.constant 0 : i32
        %dma_wait3A_90 = arith.constant 0 : i32
        %dma_wait3A_91 = tpu.memref_slice %arg11[%dma_wait3A_89, %dma_wait3A_90] : memref<10240x32xf32, #tpu.memory_space<vmem_shared>> -> memref<10240x32xf32, #tpu.memory_space<vmem_shared>>
        tpu.wait_indirect_dma semaphore(%arg16 : memref<!tpu.dma_semaphore, #tpu.memory_space<semaphore_mem>>) src(%arg10 : memref<512x32xf32, #tpu.memory_space<vmem>>) dst(%dma_wait3A_91 : memref<10240x32xf32, #tpu.memory_space<vmem_shared>>)
      } else {
      }
      %add3A_49 = arith.constant 1 : i32
      %add3A_50 = arith.addi %add3A_40, %add3A_49 : i32
      %dma_start3A_51 = arith.constant 0 : i32
      %dma_start3A_52 = tpu.memref_slice %arg7[%add3A_50, %dma_start3A_51] : memref<40x512xi32, #tpu.memory_space<vmem>> -> memref<1x512xi32, #tpu.memory_space<vmem>>
      %dma_start3A_53 = tpu.memref_squeeze %dma_start3A_52 : memref<1x512xi32, #tpu.memory_space<vmem>> -> memref<512xi32, #tpu.memory_space<vmem>>
      %dma_start3A_54 = arith.constant 0 : i32
      %dma_start3A_55 = arith.constant 0 : i32
      %dma_start3A_56 = tpu.memref_slice %arg12[%dma_start3A_54, %dma_start3A_55] : memref<10000x32xf32, #tpu.memory_space<vmem_shared>> -> memref<10000x32xf32, #tpu.memory_space<vmem_shared>>
      tpu.enqueue_indirect_dma source(%dma_start3A_56 : memref<10000x32xf32, #tpu.memory_space<vmem_shared>>) target(%arg10 : memref<512x32xf32, #tpu.memory_space<vmem>>) offsets(%dma_start3A_53 : memref<512xi32, #tpu.memory_space<vmem>>) semaphore(%arg14 : memref<!tpu.dma_semaphore, #tpu.memory_space<semaphore_mem>>)
      %dma_start3A_57 = arith.constant 0 : i32
      %dma_start3A_58 = tpu.memref_slice %arg8[%add3A_40, %dma_start3A_57] : memref<40x512xi32, #tpu.memory_space<vmem>> -> memref<1x512xi32, #tpu.memory_space<vmem>>
      %dma_start3A_59 = tpu.memref_squeeze %dma_start3A_58 : memref<1x512xi32, #tpu.memory_space<vmem>> -> memref<512xi32, #tpu.memory_space<vmem>>
      %dma_start3A_60 = arith.constant 0 : i32
      %dma_start3A_61 = arith.constant 0 : i32
      %dma_start3A_62 = tpu.memref_slice %arg11[%dma_start3A_60, %dma_start3A_61] : memref<10240x32xf32, #tpu.memory_space<vmem_shared>> -> memref<10240x32xf32, #tpu.memory_space<vmem_shared>>
      tpu.enqueue_indirect_dma source(%arg9 : memref<512x32xf32, #tpu.memory_space<vmem>>) target(%dma_start3A_62 : memref<10240x32xf32, #tpu.memory_space<vmem_shared>>) offsets(%dma_start3A_59 : memref<512xi32, #tpu.memory_space<vmem>>) semaphore(%arg15 : memref<!tpu.dma_semaphore, #tpu.memory_space<semaphore_mem>>) {add = true}
      %add3A_63 = arith.constant 1 : i32
      %add3A_64 = arith.addi %add3A_40, %add3A_63 : i32
      %dma_wait3A_65 = arith.constant 0 : i32
      %dma_wait3A_66 = tpu.memref_slice %arg7[%add3A_64, %dma_wait3A_65] : memref<40x512xi32, #tpu.memory_space<vmem>> -> memref<1x512xi32, #tpu.memory_space<vmem>>
      %dma_wait3A_67 = tpu.memref_squeeze %dma_wait3A_66 : memref<1x512xi32, #tpu.memory_space<vmem>> -> memref<512xi32, #tpu.memory_space<vmem>>
      %dma_wait3A_68 = arith.constant 0 : i32
      %dma_wait3A_69 = arith.constant 0 : i32
      %dma_wait3A_70 = tpu.memref_slice %arg12[%dma_wait3A_68, %dma_wait3A_69] : memref<10000x32xf32, #tpu.memory_space<vmem_shared>> -> memref<10000x32xf32, #tpu.memory_space<vmem_shared>>
      tpu.wait_indirect_dma semaphore(%arg14 : memref<!tpu.dma_semaphore, #tpu.memory_space<semaphore_mem>>) src(%dma_wait3A_70 : memref<10000x32xf32, #tpu.memory_space<vmem_shared>>) dst(%arg10 : memref<512x32xf32, #tpu.memory_space<vmem>>)
      %add3A_71 = arith.constant 2 : i32
      %add3A_72 = arith.addi %add3A_40, %add3A_71 : i32
      %lt3A = arith.constant 40 : i32
      %lt3A_73 = arith.cmpi slt, %add3A_72, %lt3A : i32
      %convert_element_type3A_74 = arith.extui %lt3A_73 : i1 to i32
      %cond3A_75 = arith.constant 0 : i32
      %cond3A_76 = arith.cmpi ne, %convert_element_type3A_74, %cond3A_75 : i32
      scf.if %cond3A_76 {
        %dma_wait3A_85 = arith.constant 0 : i32
        %dma_wait3A_86 = tpu.memref_slice %arg8[%add3A_40, %dma_wait3A_85] : memref<40x512xi32, #tpu.memory_space<vmem>> -> memref<1x512xi32, #tpu.memory_space<vmem>>
        %dma_wait3A_87 = tpu.memref_squeeze %dma_wait3A_86 : memref<1x512xi32, #tpu.memory_space<vmem>> -> memref<512xi32, #tpu.memory_space<vmem>>
        %dma_wait3A_88 = arith.constant 0 : i32
        %dma_wait3A_89 = arith.constant 0 : i32
        %dma_wait3A_90 = tpu.memref_slice %arg11[%dma_wait3A_88, %dma_wait3A_89] : memref<10240x32xf32, #tpu.memory_space<vmem_shared>> -> memref<10240x32xf32, #tpu.memory_space<vmem_shared>>
        tpu.wait_indirect_dma semaphore(%arg15 : memref<!tpu.dma_semaphore, #tpu.memory_space<semaphore_mem>>) src(%arg9 : memref<512x32xf32, #tpu.memory_space<vmem>>) dst(%dma_wait3A_90 : memref<10240x32xf32, #tpu.memory_space<vmem_shared>>)
        %add3A_91 = arith.constant 2 : i32
        %add3A_92 = arith.addi %add3A_40, %add3A_91 : i32
        %dma_start3A_93 = arith.constant 0 : i32
        %dma_start3A_94 = tpu.memref_slice %arg7[%add3A_92, %dma_start3A_93] : memref<40x512xi32, #tpu.memory_space<vmem>> -> memref<1x512xi32, #tpu.memory_space<vmem>>
        %dma_start3A_95 = tpu.memref_squeeze %dma_start3A_94 : memref<1x512xi32, #tpu.memory_space<vmem>> -> memref<512xi32, #tpu.memory_space<vmem>>
        %dma_start3A_96 = arith.constant 0 : i32
        %dma_start3A_97 = arith.constant 0 : i32
        %dma_start3A_98 = tpu.memref_slice %arg12[%dma_start3A_96, %dma_start3A_97] : memref<10000x32xf32, #tpu.memory_space<vmem_shared>> -> memref<10000x32xf32, #tpu.memory_space<vmem_shared>>
        tpu.enqueue_indirect_dma source(%dma_start3A_98 : memref<10000x32xf32, #tpu.memory_space<vmem_shared>>) target(%arg9 : memref<512x32xf32, #tpu.memory_space<vmem>>) offsets(%dma_start3A_95 : memref<512xi32, #tpu.memory_space<vmem>>) semaphore(%arg13 : memref<!tpu.dma_semaphore, #tpu.memory_space<semaphore_mem>>)
      } else {
      }
      %add3A_77 = arith.constant 1 : i32
      %add3A_78 = arith.addi %add3A_40, %add3A_77 : i32
      %dma_start3A_79 = arith.constant 0 : i32
      %dma_start3A_80 = tpu.memref_slice %arg8[%add3A_78, %dma_start3A_79] : memref<40x512xi32, #tpu.memory_space<vmem>> -> memref<1x512xi32, #tpu.memory_space<vmem>>
      %dma_start3A_81 = tpu.memref_squeeze %dma_start3A_80 : memref<1x512xi32, #tpu.memory_space<vmem>> -> memref<512xi32, #tpu.memory_space<vmem>>
      %dma_start3A_82 = arith.constant 0 : i32
      %dma_start3A_83 = arith.constant 0 : i32
      %dma_start3A_84 = tpu.memref_slice %arg11[%dma_start3A_82, %dma_start3A_83] : memref<10240x32xf32, #tpu.memory_space<vmem_shared>> -> memref<10240x32xf32, #tpu.memory_space<vmem_shared>>
      tpu.enqueue_indirect_dma source(%arg10 : memref<512x32xf32, #tpu.memory_space<vmem>>) target(%dma_start3A_84 : memref<10240x32xf32, #tpu.memory_space<vmem_shared>>) offsets(%dma_start3A_81 : memref<512xi32, #tpu.memory_space<vmem>>) semaphore(%arg16 : memref<!tpu.dma_semaphore, #tpu.memory_space<semaphore_mem>>) {add = true}
    }
    %scan3A_16 = arith.constant 20 : i32
    %dma_wait3A = arith.constant 38 : i32
    %dma_wait3A_17 = arith.constant 0 : i32
    %dma_wait3A_18 = tpu.memref_slice %arg8[%dma_wait3A, %dma_wait3A_17] : memref<40x512xi32, #tpu.memory_space<vmem>> -> memref<1x512xi32, #tpu.memory_space<vmem>>
    %dma_wait3A_19 = tpu.memref_squeeze %dma_wait3A_18 : memref<1x512xi32, #tpu.memory_space<vmem>> -> memref<512xi32, #tpu.memory_space<vmem>>
    %dma_wait3A_20 = arith.constant 0 : i32
    %dma_wait3A_21 = arith.constant 0 : i32
    %dma_wait3A_22 = tpu.memref_slice %arg11[%dma_wait3A_20, %dma_wait3A_21] : memref<10240x32xf32, #tpu.memory_space<vmem_shared>> -> memref<10240x32xf32, #tpu.memory_space<vmem_shared>>
    tpu.wait_indirect_dma semaphore(%arg15 : memref<!tpu.dma_semaphore, #tpu.memory_space<semaphore_mem>>) src(%arg9 : memref<512x32xf32, #tpu.memory_space<vmem>>) dst(%dma_wait3A_22 : memref<10240x32xf32, #tpu.memory_space<vmem_shared>>)
    %dma_wait3A_23 = arith.constant 39 : i32
    %dma_wait3A_24 = arith.constant 0 : i32
    %dma_wait3A_25 = tpu.memref_slice %arg8[%dma_wait3A_23, %dma_wait3A_24] : memref<40x512xi32, #tpu.memory_space<vmem>> -> memref<1x512xi32, #tpu.memory_space<vmem>>
    %dma_wait3A_26 = tpu.memref_squeeze %dma_wait3A_25 : memref<1x512xi32, #tpu.memory_space<vmem>> -> memref<512xi32, #tpu.memory_space<vmem>>
    %dma_wait3A_27 = arith.constant 0 : i32
    %dma_wait3A_28 = arith.constant 0 : i32
    %dma_wait3A_29 = tpu.memref_slice %arg11[%dma_wait3A_27, %dma_wait3A_28] : memref<10240x32xf32, #tpu.memory_space<vmem_shared>> -> memref<10240x32xf32, #tpu.memory_space<vmem_shared>>
    tpu.wait_indirect_dma semaphore(%arg16 : memref<!tpu.dma_semaphore, #tpu.memory_space<semaphore_mem>>) src(%arg10 : memref<512x32xf32, #tpu.memory_space<vmem>>) dst(%dma_wait3A_29 : memref<10240x32xf32, #tpu.memory_space<vmem_shared>>)
    %barrier3A_30 = arith.constant 0 : index
    tpu.barrier barrier_id(%barrier3A_30)
    %mul3A_31 = arith.constant 640 : i32
    %mul3A_32 = arith.muli %arg1, %mul3A_31 : i32
    %mul3A_33 = arith.constant 640 : i32
    %mul3A_34 = arith.muli %arg1, %mul3A_33 : i32
    %mul3A_35 = arith.constant 32 : i32
    %mul3A_36 = arith.muli %arg0, %mul3A_35 : i32
    "tpu.region"() ({
      %run_scoped3A = tpu.sem_alloc : memref<!tpu.dma_semaphore, #tpu.memory_space<semaphore_mem>>
      %dma_start3A_37 = tpu.memref_slice %arg6[%mul3A_34, %mul3A_36] : memref<10240x64xf32, #tpu.memory_space<hbm>> -> memref<640x32xf32, #tpu.memory_space<hbm>>
      %dma_start3A_38 = arith.constant 0 : i32
      %dma_start3A_39 = tpu.memref_slice %arg11[%mul3A_32, %dma_start3A_38] : memref<10240x32xf32, #tpu.memory_space<vmem_shared>> -> memref<640x32xf32, #tpu.memory_space<vmem_shared>>
      tpu.enqueue_dma source(%dma_start3A_39 : memref<640x32xf32, #tpu.memory_space<vmem_shared>>) target(%dma_start3A_37 : memref<640x32xf32, #tpu.memory_space<hbm>>) target_semaphore(%run_scoped3A : memref<!tpu.dma_semaphore, #tpu.memory_space<semaphore_mem>>)
      %dma_wait3A_40 = tpu.memref_slice %arg6[%mul3A_34, %mul3A_36] : memref<10240x64xf32, #tpu.memory_space<hbm>> -> memref<640x32xf32, #tpu.memory_space<hbm>>
      %dma_wait3A_41 = arith.constant 0 : i32
      %dma_wait3A_42 = tpu.memref_slice %arg11[%mul3A_32, %dma_wait3A_41] : memref<10240x32xf32, #tpu.memory_space<vmem_shared>> -> memref<640x32xf32, #tpu.memory_space<vmem_shared>>
      tpu.wait_dma2 semaphore(%run_scoped3A : memref<!tpu.dma_semaphore, #tpu.memory_space<semaphore_mem>>) src(%dma_wait3A_42 : memref<640x32xf32, #tpu.memory_space<vmem_shared>>) dst(%dma_wait3A_40 : memref<640x32xf32, #tpu.memory_space<hbm>>)
      tpu.yield
    }) : () -> ()
    return
  }
}

module attributes {stable_mosaic.version = 14 : i64} {
  func.func @_proj_in_body(%arg0: memref<10000x128xf32, #tpu.memory_space<vmem>>, %arg1: memref<128x64xf32, #tpu.memory_space<vmem>>, %arg2: memref<1x64xf32, #tpu.memory_space<vmem>>, %arg3: memref<10000x64xf32, #tpu.memory_space<vmem>>) attributes {dimension_semantics = [], scalar_prefetch = 0 : i64, scratch_operands = 0 : i64, tpu.core_type = #tpu.core_type<tc>} {
    %get3A = arith.constant 0 : index
    %get3A_0 = arith.constant 0 : index
    %get3A_1 = vector.load %arg0[%get3A, %get3A_0] : memref<10000x128xf32, #tpu.memory_space<vmem>>, vector<10000x128xf32>
    %get3A_2 = arith.constant 0 : index
    %get3A_3 = arith.constant 0 : index
    %get3A_4 = vector.load %arg1[%get3A_2, %get3A_3] : memref<128x64xf32, #tpu.memory_space<vmem>>, vector<128x64xf32>
    %dot_general3A = arith.constant dense<0.000000e+00> : vector<10000x64xf32>
    %dot_general3A_5 = tpu.matmul %get3A_1, %get3A_4, %dot_general3A {dimension_numbers = #tpu.dot_dimension_numbers<[1], [0], [0], [1], [0, 0, 1, 1], [], []>, transpose_lhs_hint = false} : vector<10000x128xf32>, vector<128x64xf32>, vector<10000x64xf32> -> vector<10000x64xf32>
    %get3A_6 = arith.constant 0 : index
    %get3A_7 = arith.constant 0 : index
    %get3A_8 = vector.load %arg2[%get3A_6, %get3A_7] : memref<1x64xf32, #tpu.memory_space<vmem>>, vector<1x64xf32>
    %add3A = vector.broadcast %get3A_8 : vector<1x64xf32> to vector<10000x64xf32>
    %add3A_9 = arith.addf %dot_general3A_5, %add3A : vector<10000x64xf32>
    %swap3A = arith.constant 0 : index
    %swap3A_10 = arith.constant 0 : index
    %swap3A_11 = vector.load %arg3[%swap3A, %swap3A_10] : memref<10000x64xf32, #tpu.memory_space<vmem>>, vector<10000x64xf32>
    tpu.vector_store %arg3[%swap3A, %swap3A_10], %add3A_9 {strides = array<i32>} : memref<10000x64xf32, #tpu.memory_space<vmem>>, vector<10000x64xf32>,
    return
  }
}

module attributes {stable_mosaic.version = 14 : i64} {
  func.func @_gin_mlp_body(%arg0: memref<10000x64xf32, #tpu.memory_space<vmem>>, %arg1: memref<10240x64xf32, #tpu.memory_space<vmem>>, %arg2: memref<64x64xf32, #tpu.memory_space<vmem>>, %arg3: memref<1x64xf32, #tpu.memory_space<vmem>>, %arg4: memref<64x64xf32, #tpu.memory_space<vmem>>, %arg5: memref<1x64xf32, #tpu.memory_space<vmem>>, %arg6: memref<10000x64xf32, #tpu.memory_space<vmem>>) attributes {dimension_semantics = [], scalar_prefetch = 0 : i64, scratch_operands = 0 : i64, tpu.core_type = #tpu.core_type<tc>} {
    %get3A = arith.constant 0 : index
    %get3A_0 = arith.constant 0 : index
    %get3A_1 = vector.load %arg0[%get3A, %get3A_0] : memref<10000x64xf32, #tpu.memory_space<vmem>>, vector<10000x64xf32>
    %get3A_2 = arith.constant 0 : index
    %get3A_3 = arith.constant 0 : index
    %get3A_4 = vector.load %arg1[%get3A_2, %get3A_3] : memref<10240x64xf32, #tpu.memory_space<vmem>>, vector<10000x64xf32>
    %add3A = arith.addf %get3A_1, %get3A_4 : vector<10000x64xf32>
    %get3A_5 = arith.constant 0 : index
    %get3A_6 = arith.constant 0 : index
    %get3A_7 = vector.load %arg2[%get3A_5, %get3A_6] : memref<64x64xf32, #tpu.memory_space<vmem>>, vector<64x64xf32>
    %dot_general3A = arith.constant dense<0.000000e+00> : vector<10000x64xf32>
    %dot_general3A_8 = tpu.matmul %add3A, %get3A_7, %dot_general3A {dimension_numbers = #tpu.dot_dimension_numbers<[1], [0], [0], [1], [0, 0, 1, 1], [], []>, transpose_lhs_hint = false} : vector<10000x64xf32>, vector<64x64xf32>, vector<10000x64xf32> -> vector<10000x64xf32>
    %get3A_9 = arith.constant 0 : index
    %get3A_10 = arith.constant 0 : index
    %get3A_11 = vector.load %arg3[%get3A_9, %get3A_10] : memref<1x64xf32, #tpu.memory_space<vmem>>, vector<1x64xf32>
    %add3A_12 = vector.broadcast %get3A_11 : vector<1x64xf32> to vector<10000x64xf32>
    %add3A_13 = arith.addf %dot_general3A_8, %add3A_12 : vector<10000x64xf32>
    %max3A = arith.constant 0.000000e+00 : f32
    %max3A_14 = vector.broadcast %max3A : f32 to vector<10000x64xf32>
    %max3A_15 = arith.maximumf %add3A_13, %max3A_14 : vector<10000x64xf32>
    %get3A_16 = arith.constant 0 : index
    %get3A_17 = arith.constant 0 : index
    %get3A_18 = vector.load %arg4[%get3A_16, %get3A_17] : memref<64x64xf32, #tpu.memory_space<vmem>>, vector<64x64xf32>
    %dot_general3A_19 = arith.constant dense<0.000000e+00> : vector<10000x64xf32>
    %dot_general3A_20 = tpu.matmul %max3A_15, %get3A_18, %dot_general3A_19 {dimension_numbers = #tpu.dot_dimension_numbers<[1], [0], [0], [1], [0, 0, 1, 1], [], []>, transpose_lhs_hint = false} : vector<10000x64xf32>, vector<64x64xf32>, vector<10000x64xf32> -> vector<10000x64xf32>
    %get3A_21 = arith.constant 0 : index
    %get3A_22 = arith.constant 0 : index
    %get3A_23 = vector.load %arg5[%get3A_21, %get3A_22] : memref<1x64xf32, #tpu.memory_space<vmem>>, vector<1x64xf32>
    %add3A_24 = vector.broadcast %get3A_23 : vector<1x64xf32> to vector<10000x64xf32>
    %add3A_25 = arith.addf %dot_general3A_20, %add3A_24 : vector<10000x64xf32>
    %max3A_26 = arith.constant 0.000000e+00 : f32
    %max3A_27 = vector.broadcast %max3A_26 : f32 to vector<10000x64xf32>
    %max3A_28 = arith.maximumf %add3A_25, %max3A_27 : vector<10000x64xf32>
    %swap3A = arith.constant 0 : index
    %swap3A_29 = arith.constant 0 : index
    %swap3A_30 = vector.load %arg6[%swap3A, %swap3A_29] : memref<10000x64xf32, #tpu.memory_space<vmem>>, vector<10000x64xf32>
    tpu.vector_store %arg6[%swap3A, %swap3A_29], %max3A_28 {strides = array<i32>} : memref<10000x64xf32, #tpu.memory_space<vmem>>, vector<10000x64xf32>,
    return
  }
}

module attributes {stable_mosaic.version = 14 : i64} {
  func.func @_final_body(%arg0: memref<10000x64xf32, #tpu.memory_space<vmem>>, %arg1: memref<10240x64xf32, #tpu.memory_space<vmem>>, %arg2: memref<64x64xf32, #tpu.memory_space<vmem>>, %arg3: memref<1x64xf32, #tpu.memory_space<vmem>>, %arg4: memref<64x64xf32, #tpu.memory_space<vmem>>, %arg5: memref<1x64xf32, #tpu.memory_space<vmem>>, %arg6: memref<64x128xf32, #tpu.memory_space<vmem>>, %arg7: memref<1x128xf32, #tpu.memory_space<vmem>>, %arg8: memref<10000x1xi32, #tpu.memory_space<vmem>>, %arg9: memref<64x128xf32, #tpu.memory_space<vmem>>) attributes {dimension_semantics = [], scalar_prefetch = 0 : i64, scratch_operands = 0 : i64, tpu.core_type = #tpu.core_type<tc>} {
    %get3A = arith.constant 0 : index
    %get3A_0 = arith.constant 0 : index
    %get3A_1 = vector.load %arg0[%get3A, %get3A_0] : memref<10000x64xf32, #tpu.memory_space<vmem>>, vector<10000x64xf32>
    %get3A_2 = arith.constant 0 : index
    %get3A_3 = arith.constant 0 : index
    %get3A_4 = vector.load %arg1[%get3A_2, %get3A_3] : memref<10240x64xf32, #tpu.memory_space<vmem>>, vector<10000x64xf32>
    %add3A = arith.addf %get3A_1, %get3A_4 : vector<10000x64xf32>
    %get3A_5 = arith.constant 0 : index
    %get3A_6 = arith.constant 0 : index
    %get3A_7 = vector.load %arg2[%get3A_5, %get3A_6] : memref<64x64xf32, #tpu.memory_space<vmem>>, vector<64x64xf32>
    %dot_general3A = arith.constant dense<0.000000e+00> : vector<10000x64xf32>
    %dot_general3A_8 = tpu.matmul %add3A, %get3A_7, %dot_general3A {dimension_numbers = #tpu.dot_dimension_numbers<[1], [0], [0], [1], [0, 0, 1, 1], [], []>, transpose_lhs_hint = false} : vector<10000x64xf32>, vector<64x64xf32>, vector<10000x64xf32> -> vector<10000x64xf32>
    %get3A_9 = arith.constant 0 : index
    %get3A_10 = arith.constant 0 : index
    %get3A_11 = vector.load %arg3[%get3A_9, %get3A_10] : memref<1x64xf32, #tpu.memory_space<vmem>>, vector<1x64xf32>
    %add3A_12 = vector.broadcast %get3A_11 : vector<1x64xf32> to vector<10000x64xf32>
    %add3A_13 = arith.addf %dot_general3A_8, %add3A_12 : vector<10000x64xf32>
    %max3A = arith.constant 0.000000e+00 : f32
    %max3A_14 = vector.broadcast %max3A : f32 to vector<10000x64xf32>
    %max3A_15 = arith.maximumf %add3A_13, %max3A_14 : vector<10000x64xf32>
    %get3A_16 = arith.constant 0 : index
    %get3A_17 = arith.constant 0 : index
    %get3A_18 = vector.load %arg4[%get3A_16, %get3A_17] : memref<64x64xf32, #tpu.memory_space<vmem>>, vector<64x64xf32>
    %dot_general3A_19 = arith.constant dense<0.000000e+00> : vector<10000x64xf32>
    %dot_general3A_20 = tpu.matmul %max3A_15, %get3A_18, %dot_general3A_19 {dimension_numbers = #tpu.dot_dimension_numbers<[1], [0], [0], [1], [0, 0, 1, 1], [], []>, transpose_lhs_hint = false} : vector<10000x64xf32>, vector<64x64xf32>, vector<10000x64xf32> -> vector<10000x64xf32>
    %get3A_21 = arith.constant 0 : index
    %get3A_22 = arith.constant 0 : index
    %get3A_23 = vector.load %arg5[%get3A_21, %get3A_22] : memref<1x64xf32, #tpu.memory_space<vmem>>, vector<1x64xf32>
    %add3A_24 = vector.broadcast %get3A_23 : vector<1x64xf32> to vector<10000x64xf32>
    %add3A_25 = arith.addf %dot_general3A_20, %add3A_24 : vector<10000x64xf32>
    %max3A_26 = arith.constant 0.000000e+00 : f32
    %max3A_27 = vector.broadcast %max3A_26 : f32 to vector<10000x64xf32>
    %max3A_28 = arith.maximumf %add3A_25, %max3A_27 : vector<10000x64xf32>
    %get3A_29 = arith.constant 0 : index
    %get3A_30 = arith.constant 0 : index
    %get3A_31 = vector.load %arg6[%get3A_29, %get3A_30] : memref<64x128xf32, #tpu.memory_space<vmem>>, vector<64x128xf32>
    %dot_general3A_32 = arith.constant dense<0.000000e+00> : vector<10000x128xf32>
    %dot_general3A_33 = tpu.matmul %max3A_28, %get3A_31, %dot_general3A_32 {dimension_numbers = #tpu.dot_dimension_numbers<[1], [0], [0], [1], [0, 0, 1, 1], [], []>, transpose_lhs_hint = false} : vector<10000x64xf32>, vector<64x128xf32>, vector<10000x128xf32> -> vector<10000x128xf32>
    %get3A_34 = arith.constant 0 : index
    %get3A_35 = arith.constant 0 : index
    %get3A_36 = vector.load %arg7[%get3A_34, %get3A_35] : memref<1x128xf32, #tpu.memory_space<vmem>>, vector<1x128xf32>
    %add3A_37 = vector.broadcast %get3A_36 : vector<1x128xf32> to vector<10000x128xf32>
    %add3A_38 = arith.addf %dot_general3A_33, %add3A_37 : vector<10000x128xf32>
    %iota3A = tpu.iota {dimensions = array<i32: 1>} : vector<10000x64xi32>
    %get3A_39 = arith.constant 0 : index
    %get3A_40 = arith.constant 0 : index
    %get3A_41 = vector.load %arg8[%get3A_39, %get3A_40] : memref<10000x1xi32, #tpu.memory_space<vmem>>, vector<10000x1xi32>
    %eq3A = vector.broadcast %get3A_41 : vector<10000x1xi32> to vector<10000x64xi32>
    %eq3A_42 = arith.cmpi eq, %eq3A, %iota3A : vector<10000x64xi32>
    %jit3A = arith.constant 1.000000e+00 : f32
    %jit3A_43 = arith.constant 0.000000e+00 : f32
    %broadcast_in_dim3A = vector.broadcast %jit3A : f32 to vector<10000x64xf32>
    %broadcast_in_dim3A_44 = vector.broadcast %jit3A_43 : f32 to vector<10000x64xf32>
    %select_n3A = arith.select %eq3A_42, %broadcast_in_dim3A, %broadcast_in_dim3A_44 : vector<10000x64xi1>, vector<10000x64xf32>
    %dot_general3A_45 = arith.constant dense<0.000000e+00> : vector<64x128xf32>
    %dot_general3A_46 = tpu.matmul %select_n3A, %add3A_38, %dot_general3A_45 {dimension_numbers = #tpu.dot_dimension_numbers<[0], [0], [1], [1], [0, 1, 1, 1], [], []>, transpose_lhs_hint = false} : vector<10000x64xf32>, vector<10000x128xf32>, vector<64x128xf32> -> vector<64x128xf32>
    %broadcast_in_dim3A_47 = arith.constant 1.000000e+00 : f32
    %broadcast_in_dim3A_48 = vector.broadcast %broadcast_in_dim3A_47 : f32 to vector<10000x1xf32>
    %dot_general3A_49 = arith.constant dense<0.000000e+00> : vector<64x1xf32>
    %dot_general3A_50 = tpu.matmul %select_n3A, %broadcast_in_dim3A_48, %dot_general3A_49 {dimension_numbers = #tpu.dot_dimension_numbers<[0], [0], [1], [1], [0, 1, 1, 1], [], []>, transpose_lhs_hint = false} : vector<10000x64xf32>, vector<10000x1xf32>, vector<64x1xf32> -> vector<64x1xf32>
    %max3A_51 = arith.constant 1.000000e+00 : f32
    %max3A_52 = vector.broadcast %max3A_51 : f32 to vector<64x1xf32>
    %max3A_53 = arith.maximumf %dot_general3A_50, %max3A_52 : vector<64x1xf32>
    %div3A = vector.broadcast %max3A_53 : vector<64x1xf32> to vector<64x128xf32>
    %div3A_54 = arith.divf %dot_general3A_46, %div3A : vector<64x128xf32>
    %swap3A = arith.constant 0 : index
    %swap3A_55 = arith.constant 0 : index
    %swap3A_56 = vector.load %arg9[%swap3A, %swap3A_55] : memref<64x128xf32, #tpu.memory_space<vmem>>, vector<64x128xf32>
    tpu.vector_store %arg9[%swap3A, %swap3A_55], %div3A_54 {strides = array<i32>} : memref<64x128xf32, #tpu.memory_space<vmem>>, vector<64x128xf32>,
    return
  }
}

</mosaic_0001>

<sc_bundles>
// kernel: kernel.10.cloned.1.call-start
scs
__scs_entry_jumppad:
0x0: {  	(pc) =	sbr.rel $0x88, $3  }
0x1: {  	(tag) =	ssettag $0x0;
	lr =	simm.s32 $0x1  }
0x2: {  	[smem:$0x3F92] =	sst lr;
	_ =	strace $0xD0000000  }
0x3: {  	_ = 	snop  }
0x4: {  	_ = 	snop  }
0x5: {  	_ = 	snop  }
0x6: {  	_ = 	snop  }
0x7: {  	_ = 	snop  }
__scs_overlays_trampoline_lowered:
0x8: {  	[smem:$0x3FA1] =	sst s0  }
0x9: {  	[smem:$0x3FA2] =	sst s1  }
0xa: {  	[smem:$0x3FA3] =	sst s2  }
0xb: {  	[smem:$0x3FA4] =	sst s3  }
0xc: {  	[smem:$0x3FA5] =	sst s4  }
0xd: {  	[smem:$0x3FA6] =	sst s5  }
0xe: {  	[smem:$0x3FA7] =	sst s6  }
0xf: {  	[smem:$0x3FA8] =	sst s7  }
0x10: {  	[smem:$0x3FA9] =	sst s8  }
0x11: {  	[smem:$0x3FAA] =	sst s9;
	s0 =	simm.s32 @!p0 $0x0  }
0x12: {  	s1 =	sld [smem:$0x3F90];
	s0 =	simm.s32 @p0 $0x1  }
0x13: {  	[smem:$0x3FAB] =	sst s0;
	s0 =	simm.s32 @!p1 $0x0  }
0x14: {  	s2 =	sld [smem:$0x3F8F];
	s0 =	simm.s32 @p1 $0x1  }
0x15: {  	[smem:$0x3FAC] =	sst s0;
	s0 =	simm.s32 @!p2 $0x0  }
0x16: {  	s3 =	sld [smem:$0x3FDB];
	s0 =	simm.s32 @p2 $0x1  }
0x17: {  	s4 =	simm.s32 $0x1BF5;
	[smem:$0x3FAE] =	sst s0  }
0x18: {  	s0 =	sld [smem:$0x3F91];
	_ =	swait.ge [sflag:s4], $0x0  }
0x19: {  	s7 =	sld [smem:$0x3F92]  }
0x1a: {  	s8 =	sadd.s32 $0xFFFFE003, lr  }
0x1b: {  	s9 =	sadd.s32 $0xFFFFFEF7, lr;
	s5 =	simm.s32 $0xFFFFFFFF;
	p2 =	slt.u32 s8, $0xFFFFF086  }
0x1c: {  	p1 =	slt.u32 s9, $0xF7A;
	s5 =	simm.s32 @!p2 $0x0  }
0x1d: {  	s5 =	simm.s32 @p1 $0x1;
	p0 =	seq.s32 s7, s2  }
0x1e: {  	s7 =	smul.u32 @!p0 $0xF7A, s2;
	p2 =	seq.s32 @!p0 s5, $0x0  }
0x1f: {  	s9 =	smul.u32 $0xF7A, s1;
	s8 =	simm.s32 @!p0 $0x1BF5;
	p2 =	por !p2, p0  }
0x20: {  	[sflag:s8] =	ssyncset.s32 @!p0 $0xFFFFF086;
	s6 =	sadd.s32 @!p0 s3, s7;
	s7 =	simm.s32 @!p0 $0x108  }
0x21: {  	s3 =	sadd.s32 s3, s9;
	s6 =	sadd.s32 @!p0 $0x88, s6;
	s7 =	simm.s32 @p2 $0x1082  }
0x22: {  	[simem:s7], [sflag:s8] =	dma.local @!p0 [hbm:s6], $0xF7A  }
0x23: {  	s9 =	sor.u32 $0xD0000000, s2;
	s6 =	simm.s32 $0x108;
	_ =	swait.ge @!p0 [sflag:s8], $0x0  }
0x24: {  	s3 =	sadd.s32 $0x88, s3;
	s6 =	simm.s32 @!p1 $0x1082;
	[sflag:s4] =	ssyncset.s32 $0xFFFFF086  }
0x25: {  	[simem:s6], [sflag:s4] =	dma.local [hbm:s3], $0xF7A  }
0x26: {  	[smem:$0x3F92] =	sst s1;
	(tag) =	ssettag s2;
	_ =	strace s9  }
0x27: {  	s1 =	sld [smem:$0x3FA2]  }
0x28: {  	s2 =	sld [smem:$0x3FA3]  }
0x29: {  	s4 =	sld [smem:$0x3FA5]  }
0x2a: {  	p0 =	seq.s32 s5, $0x0;
	s5 =	sld [smem:$0x3FA6]  }
0x2b: {  	s6 =	sld [smem:$0x3FA7]  }
0x2c: {  	s7 =	sld [smem:$0x3FA8]  }
0x2d: {  	s3 =	simm.s32 $0x108;
	s8 =	sld [smem:$0x3FA9]  }
0x2e: {  	s3 =	simm.s32 @!p0 $0x1082;
	s9 =	sld [smem:$0x3FAA]  }
0x2f: {  	lr =	sadd.s32 s0, s3;
	s0 =	sld [smem:$0x3FA1]  }
0x30: {  	s3 =	sld [smem:$0x3FA4]  }
0x31: {  	[smem:$0x3FAD] =	sst s10  }
0x32: {  	s10 =	sld [smem:$0x3FAB];
	_ =	sdelay $0x3  }
0x33: {  	p0 =	seq.s32 s10, $0x1;
	s10 =	sld [smem:$0x3FAD];
	_ =	sdelay $0x3  }
0x34: {  	[smem:$0x3FAD] =	sst s10  }
0x35: {  	s10 =	sld [smem:$0x3FAC];
	_ =	sdelay $0x3  }
0x36: {  	p1 =	seq.s32 s10, $0x1;
	s10 =	sld [smem:$0x3FAD];
	_ =	sdelay $0x3  }
0x37: {  	[smem:$0x3FAD] =	sst s10  }
0x38: {  	s10 =	sld [smem:$0x3FAE]  }
0x39: {  	_ = 	snop;
	(pc) =	sbr.ind lr, $3  }
0x3a: {  	_ = 	snop  }
0x3b: {  	_ = 	snop  }
0x3c: {  	p2 =	seq.s32 s10, $0x1;
	s10 =	sld [smem:$0x3FAD]  }
0x3d: {  	_ =	shalt  }
0x3e: {  	_ =	shalt  }
0x3f: {  	_ =	shalt  }
0x40: {  	_ =	shalt  }
0x41: {  	_ =	shalt  }
0x42: {  	_ =	shalt  }
0x43: {  	_ =	shalt  }
0x44: {  	_ =	shalt  }
0x45: {  	_ =	shalt  }
0x46: {  	_ =	shalt  }
0x47: {  	_ =	shalt  }
0x48: {  	_ =	shalt  }
0x49: {  	_ =	shalt  }
0x4a: {  	_ =	shalt  }
0x4b: {  	_ =	shalt  }
0x4c: {  	_ =	shalt  }
0x4d: {  	_ =	shalt  }
0x4e: {  	_ =	shalt  }
0x4f: {  	_ =	shalt  }
0x50: {  	_ =	shalt  }
0x51: {  	_ =	shalt  }
0x52: {  	_ =	shalt  }
0x53: {  	_ =	shalt  }
0x54: {  	_ =	shalt  }
0x55: {  	_ =	shalt  }
0x56: {  	_ =	shalt  }
0x57: {  	_ =	shalt  }
0x58: {  	_ =	shalt  }
0x59: {  	_ =	shalt  }
0x5a: {  	_ =	shalt  }
0x5b: {  	_ =	shalt  }
0x5c: {  	_ =	shalt  }
0x5d: {  	_ =	shalt  }
0x5e: {  	_ =	shalt  }
0x5f: {  	_ =	shalt  }
0x60: {  	_ =	shalt  }
0x61: {  	_ =	shalt  }
0x62: {  	_ =	shalt  }
0x63: {  	_ =	shalt  }
0x64: {  	_ =	shalt  }
0x65: {  	_ =	shalt  }
0x66: {  	_ =	shalt  }
0x67: {  	_ =	shalt  }
0x68: {  	_ =	shalt  }
0x69: {  	_ =	shalt  }
0x6a: {  	_ =	shalt  }
0x6b: {  	_ =	shalt  }
0x6c: {  	_ =	shalt  }
0x6d: {  	_ =	shalt  }
0x6e: {  	_ =	shalt  }
0x6f: {  	_ =	shalt  }
0x70: {  	_ =	shalt  }
0x71: {  	_ =	shalt  }
0x72: {  	_ =	shalt  }
0x73: {  	_ =	shalt  }
0x74: {  	_ =	shalt  }
0x75: {  	_ =	shalt  }
0x76: {  	_ =	shalt  }
0x77: {  	_ =	shalt  }
0x78: {  	_ =	shalt  }
0x79: {  	_ =	shalt  }
0x7a: {  	_ =	shalt  }
0x7b: {  	_ =	shalt  }
0x7c: {  	_ =	shalt  }
0x7d: {  	_ =	shalt  }
0x7e: {  	_ =	shalt  }
0x7f: {  	_ =	shalt  }
0x80: {  	_ =	shalt  }
0x81: {  	_ =	shalt  }
0x82: {  	_ =	shalt  }
0x83: {  	_ =	shalt  }
0x84: {  	_ =	shalt  }
0x85: {  	_ =	shalt  }
0x86: {  	_ =	shalt  }
0x87: {  	_ =	shalt  }
.Lfunc_end0:
.L_simem_size_0:
called_computation.1_lowered:
.L_overlay_start_0:
0x88: {  	s2 =	sld [smem:$0x3FD9]  }
0x89: {  	s3 =	sld [smem:$0x3FFE];
	_ =	sdelay $0x1  }
0x8a: {  	s1 =	srdreg.scid  }
0x8b: {  	s0 =	sand.u32 $0x1, s1  }
0x8c: {  	s16 =	sshll.u32 s0, $0xA;
	s2 =	sadd.s32 s3, s2  }
0x8d: {  	s2 =	sadd.s32 s2, s16  }
0x8e: {  	[smem:$0x3FB9] =	sst s2  }
0x8f: {  	_ = 	snop  }
0x90: {  	(tm) =	ssettm $0x1  }
0x91: {  	s17 =	sld [smem:$0x3FFB];
	_ =	sdelay $0x3  }
0x92: {  	_ =	strace s17  }
0x93: {  	s2 =	sld [smem:$0x3FFC];
	_ =	sdelay $0x3  }
0x94: {  	_ =	strace s2  }
0x95: {  	s2 =	sld [smem:$0x3FFD];
	_ =	sdelay $0x3  }
0x96: {  	_ =	strace s2  }
0x97: {  	_ =	strace $0x8FFFFFFF  }
0x98: {  	s18 =	sld [smem:$0x3FDB];
	_ =	sdelay $0x1  }
0x99: {  	s19 =	simm.s32 $_scs_section_size  }
0x9a: {  	s4 =	simm.s32 $_size__tile_overlayer_lowered;
	s5 =	simm.s32 $_tile_overlayer_lowered  }
0x9b: {  	s22 =	simm.s32 $0x1BFF;
	s21 =	sshll.u32 s5, $0x1;
	s2 =	sadd.s32 s19, s18  }
0x9c: {  	s6 =	simm.s32 $0x0;
	s20 =	sshll.u32 s4, $0x1;
	s4 =	sadd.s32 s21, s2  }
0x9d: {  	[timem:s6], [sflag:s22] =	dma.local [hbm:s4], s20  }
0x9e: {  	_ =	swait.ge [sflag:s22], s20  }
0x9f: {  	s3 =	ssub.s32 $0x0, s20;
	[sflag:s22] =	ssyncset.done $0x0  }
0xa0: {  	[sflag:s22] =	ssyncadd.s32 s3;
	_ =	sdelay $0x1  }
0xa1: {  	s23 =	simm.s32 $0x1B8B  }
0xa2: {  	_ =	swait.ge [sflag:s23], $0x1  }
0xa3: {  	[sflag:s23] =	ssyncset.done $0x0  }
0xa4: {  	s25 =	simm.s32 $0x1B8E;
	s24 =	sld [smem:$0x3FFE];
	[sflag:s23] =	ssyncadd.s32 $0xFFFFFFFF  }
0xa5: {  	s26 =	simm.s32 $execute0_lowered;
	[smem:$0x3FD2] =	sst s25  }
0xa6: {  	s4 =	sshll.u32 s26, $0x1;
	_ =	strace $0x80000049;
	[dreg:$0x1] =	wrdreg $0xFFFFFFFF  }
0xa7: {  	s28 =	simm.s32 $_size_execute0_lowered;
	s2 =	sadd.s32 s2, s4;
	[dreg:$0x0] =	wrdreg $0x0  }
0xa8: {  	s4 =	sshll.u32 s28, $0x1;
	[dreg:$0x2] =	wrdreg s2  }
0xa9: {  	[dreg:$0x3] =	wrdreg s4  }
0xaa: {  	[dreg:$0x4] =	wrdreg $0xC0  }
0xab: {  	_ =	task [dreg:s6], $0x5FFFF  }
0xac: {  	[dreg:$0x1] =	wrdreg $0xFFFFFFFF  }
0xad: {  	[dreg:$0x0] =	wrdreg $0x60  }
0xae: {  	[dreg:$0x2] =	wrdreg s24  }
0xaf: {  	[dreg:$0x3] =	wrdreg $0x120000  }
0xb0: {  	[dreg:$0x4] =	wrdreg $0x170000  }
0xb1: {  	[dreg:$0x5] =	wrdreg $0x9  }
0xb2: {  	_ =	task.clear_ibuf [dreg:s6], $0x6FFFF;
	_ =	strace $0x90000049  }
0xb3: {  	s29 =	simm.s32 $0x9;
	_ =	strace $0x8000004B  }
0xb4: {  	_ =	swait.ge [sflag:s29], $0x1  }
0xb5: {  	[sflag:s29] =	ssyncadd.s32 $0xFFFFFFFF  }
0xb6: {  	_ =	strace $0x9000004B  }
0xb7: {  	_ =	sfence  }
0xb8: {  	s30 =	sld [smem:$0x0];
	_ =	sdelay $0x2  }
0xb9: {  	s31 =	sshll.u32 s1, $0xD;
	s1 =	sshrl.u32 s1, $0x2  }
0xba: {  	s3 =	sand.u32 $0x4000, s31;
	s1 =	sadd.s32 s1, s30  }
0xbb: {  	s0 =	sor.u32 s3, s0;
	s1 =	sshll.u32 s1, $0x11  }
0xbc: {  	s0 =	sor.u32 s1, s0  }
0xbd: {  	s0 =	sadd.s32 $0x8F2B, s0  }
0xbe: {  	[sflag:s0] =	ssyncadd.remote.s32 $0x1  }
0xbf: {  	_ =	sfence.sel $0xFFFF  }
0xc0: {  	[dreg:$0x0] =	wrdreg $0xFFFFFFFF;
	(pc) =	sbr.abs _section_cstart, $3  }
0xc1: {  	[dreg:$0x1] =	wrdreg $0xFFFFFFFF  }
0xc2: {  	_ =	task.clear_ibuf [dreg:s6], $0x2FFFF;
	_ =	strace $0x9FFFFFFF  }
0xc3: {  	(tm) =	ssettm $0x7FFFFFFF  }
tec
execute0_lowered:
.L_overlay_start_1:
0x0: {  	(tag) =	ssettag $0x1  }
0x1: {  	s6 =	rddreg [dreg:$0x0]  }
0x2: {  	s2 =	rddreg [dreg:$0x1];
	s1 =	srdreg.scid  }
0x3: {  	s0 =	stileid.u32;
	s3 =	rddreg [dreg:$0x2];
	s4 =	simm.s32 $0x0  }
0x4: {  	s16 =	simm.s32 $0x4;
	s17 =	simm.s32 $0x8;
	s18 =	simm.s32 $0x5000  }
0x5: {  	s19 =	simm.s32 $0x200;
	s20 =	simm.s32 $0xA000;
	s5 =	smul.u32 $0x9C40, s0  }
0x6: {  	s21 =	simm.s32 $0xE000;
	s22 =	simm.s32 $0x2;
	s9 =	smul.u32 $0xA00, s0  }
0x7: {  	s23 =	simm.s32 $0x3;
	s24 =	simm.s32 $0x400;
	s10 =	smul.u32 $0xA000, s0  }
0x8: {  	s7 =	sand.u32 $0x1, s1;
	s1 =	rddreg [dreg:$0x3];
	s25 =	smul.u32 $0x14000, s0  }
0x9: {  	[smem:$0x7FF] =	sst s4;
	s28 =	smul.u32 $0x13880, s0;
	s30 =	sshll.u32 s0, $0x6  }
0xa: {  	s8 =	sshll.u32 s7, $0x5;
	_ =	strace $0x8000004A;
	s7 =	ssub.s32 $0x2, s7  }
0xb: {  	s5 =	sor.u32 s8, s5;
	s9 =	sadd.s32 s9, s6;
	s8 =	sor.u32 s8, s10  }
0xc: {  	s26 =	sshrl.u32 s7, $0x1;
	s29 =	sshrl.u32 s25, $0x2;
	s31 =	sshrl.u32 s28, $0x2  }
0xd: {  	s25 =	simm.s32 $0x5200;
	s5 =	sshrl.u32 s5, $0x3;
	s8 =	sshrl.u32 s8, $0x3  }
0xe: {  	s13 =	ssub.s32 s7, s26;
	s14 =	sadd.s32 s29, s2;
	s15 =	sadd.s32 s31, s3  }
.Ltmp0:
0xf: {  	s26 =	simm.s32 $0x0;
	s11 =	sadd.s32 s5, s6;
	(pc) =	sbr.rel .LBB2_1-.Ltmp0, $4  }
0x10: {  	s5 =	sadd.s32 $0x29400, s6;
	s12 =	sadd.s32 s8, s6;
	s6 =	sor.u32 $0x1C05, s30  }
0x11: {  	s8 =	sadd.s32 $0x1F400, s9;
	s9 =	sadd.s32 $0x15400, s9;
	s7 =	sadd.s32 $0x1A00, s11  }
0x12: {  	s10 =	sadd.s32 $0x29E00, s12;
	s11 =	smax.u32 s13, $0x1;
	s12 =	sshrl.u32 s14, $0x3  }
0x13: {  	s13 =	simm.s32 $0x5;
	s14 =	sshrl.u32 s15, $0x3;
	s15 =	simm.s32 $0x1  }
.LBB2_4:
0x14: {  	[spmem:s2] =	stream.indirect.scatter.add.f32 [tilespmem:s21], [sflag:$0x4], $0x20, s30, s19, $0xb8;
	[tilespmem:$0x1BE20] =	vst v63  }
0x15: {  	_ =	swait.ge [sflag:s23], $0x4000  }
0x16: {  	[sflag:s23] =	ssyncset.done $0x0  }
0x17: {  	[sflag:s23] =	ssyncadd.s32 $0xFFFFC000  }
0x18: {  	_ =	swait.ge [sflag:s16], $0x4000  }
0x19: {  	s26 =	sadd.s32 $0x1, s26;
	[sflag:s16] =	ssyncset.done $0x0  }
0x1a: {  	p0 =	sne.s32 s26, s11;
	[sflag:s16] =	ssyncadd.s32 $0xFFFFC000  }
.Ltmp1:
0x1b: {  	[bflag:$0x0] =	sbarrier.arrive $0xFFFF;
	(pc) =	sbr.rel @!p0 .LBB2_5-.Ltmp1, $4  }
0x1c: {  	[hbm:s10@s17], [sflag:s6] =	dma.strided [spmem:s12@s16], $0xA00, s15, $0x4   }
0x1d: {  	_ =	swait.ge [sflag:s13], $0xA00  }
0x1e: {  	[sflag:s13] =	ssyncset.done $0x0  }
0x1f: {  	[sflag:s13] =	ssyncadd.s32 $0xFFFFF600  }
.LBB2_1:
0x20: {  	[spmem:s12], [sflag:s6] =	dma.local [hbm:s5], $0xA00  }
0x21: {  	_ =	swait.ge [sflag:s13], $0xA00  }
0x22: {  	[sflag:s13] =	ssyncset.done $0x0  }
0x23: {  	[sflag:s13] =	ssyncadd.s32 $0xFFFFF600  }
0x24: {  	[spmem:s14@s16], [sflag:s6] =	dma.strided [hbm:s7@s17], $0x9C4, s15, $0x4   }
0x25: {  	_ =	swait.ge [sflag:s13], $0x9C4  }
0x26: {  	[sflag:s13] =	ssyncset.done $0x0  }
0x27: {  	[sflag:s13] =	ssyncadd.s32 $0xFFFFF63C  }
0x28: {  	[tilespmem:s4], [sflag:$0x5] =	stream.linear.gather [hbm4b:s8+s4], $0x5000, $0x38;
	[tilespmem:$0x1BE20] =	vst v63  }
0x29: {  	_ =	swait.ge [sflag:s13], $0x5000  }
0x2a: {  	[sflag:s13] =	ssyncset.done $0x0  }
0x2b: {  	[sflag:s13] =	ssyncadd.s32 $0xFFFFB000  }
0x2c: {  	[tilespmem:s18], [sflag:$0x5] =	stream.linear.gather [hbm4b:s9+s4], $0x5000, $0x38;
	[tilespmem:$0x1BE20] =	vst v63  }
0x2d: {  	_ =	swait.ge [sflag:s13], $0x5000  }
0x2e: {  	[sflag:s13] =	ssyncset.done $0x0  }
0x2f: {  	[sflag:s13] =	ssyncadd.s32 $0xFFFFB000  }
0x30: {  	[bflag:$0x0] =	sbarrier.arrive $0xFFFF  }
0x31: {  	[tilespmem:s20], [sflag:$0x1] =	stream.indirect.gather [spmem:s3], $0x20, s4, s19, $0xb8;
	[tilespmem:$0x1BE20] =	vst v63  }
0x32: {  	_ =	swait.ge [sflag:s15], $0x4000  }
0x33: {  	[sflag:s15] =	ssyncset.done $0x0  }
0x34: {  	[sflag:s15] =	ssyncadd.s32 $0xFFFFC000  }
0x35: {  	[tilespmem:s21], [sflag:$0x2] =	stream.indirect.gather [spmem:s3], $0x20, s19, s19, $0xb8;
	[tilespmem:$0x1BE20] =	vst v63  }
0x36: {  	_ = 	snop  }
0x37: {  	[spmem:s2] =	stream.indirect.scatter.add.f32 [tilespmem:s20], [sflag:$0x3], $0x20, s18, s19, $0xb8;
	[tilespmem:$0x1BE20] =	vst v63  }
0x38: {  	_ =	swait.ge [sflag:s22], $0x4000  }
0x39: {  	[sflag:s22] =	ssyncset.done $0x0  }
0x3a: {  	[sflag:s22] =	ssyncadd.s32 $0xFFFFC000  }
0x3b: {  	_ =	swait.ge [sflag:s23], $0x4000  }
0x3c: {  	[sflag:s23] =	ssyncset.done $0x0  }
0x3d: {  	[sflag:s23] =	ssyncadd.s32 $0xFFFFC000  }
0x3e: {  	[tilespmem:s20], [sflag:$0x1] =	stream.indirect.gather [spmem:s3], $0x20, s24, s19, $0xb8;
	[tilespmem:$0x1BE20] =	vst v63  }
0x3f: {  	s28 =	simm.s32 $0xFFFEE000  }
0x40: {  	[spmem:s2] =	stream.indirect.scatter.add.f32 [tilespmem:s21], [sflag:$0x4], $0x20, s25, s19, $0xb8;
	[tilespmem:$0x1BE20] =	vst v63  }
.LBB2_2:
0x41: {  	_ =	swait.ge [sflag:s15], $0x4000  }
0x42: {  	[sflag:s15] =	ssyncset.done $0x0  }
0x43: {  	[sflag:s15] =	ssyncadd.s32 $0xFFFFC000  }
0x44: {  	_ =	swait.ge [sflag:s16], $0x4000  }
0x45: {  	s29 =	sshra.s32 s28, $0x2;
	[sflag:s16] =	ssyncset.done $0x0  }
0x46: {  	p0 =	seq.s32 s28, $0x0;
	s30 =	sadd.s32 $0x4E00, s29;
	[sflag:s16] =	ssyncadd.s32 $0xFFFFC000  }
0x47: {  	[tilespmem:s21], [sflag:$0x2] =	stream.indirect.gather [spmem:s3], $0x20, s30, s19, $0xb8;
	[tilespmem:$0x1BE20] =	vst v63  }
.Ltmp2:
0x48: {  	s30 =	sadd.s32 $0x9C00, s29;
	(pc) =	sbr.rel @p0 .LBB2_4-.Ltmp2, $4  }
0x49: {  	[spmem:s2] =	stream.indirect.scatter.add.f32 [tilespmem:s20], [sflag:$0x3], $0x20, s30, s19, $0xb8;
	[tilespmem:$0x1BE20] =	vst v63  }
0x4a: {  	_ =	swait.ge [sflag:s22], $0x4000  }
0x4b: {  	[sflag:s22] =	ssyncset.done $0x0  }
0x4c: {  	s30 =	sadd.s32 $0x9E00, s29;
	[sflag:s22] =	ssyncadd.s32 $0xFFFFC000  }
0x4d: {  	_ =	swait.ge [sflag:s23], $0x4000  }
.Ltmp3:
0x4e: {  	[sflag:s23] =	ssyncset.done $0x0;
	(pc) =	sbr.rel .LBB2_2-.Ltmp3, $4  }
0x4f: {  	s29 =	sadd.s32 $0x5000, s29;
	[sflag:s23] =	ssyncadd.s32 $0xFFFFC000  }
0x50: {  	[tilespmem:s20], [sflag:$0x1] =	stream.indirect.gather [spmem:s3], $0x20, s29, s19, $0xb8;
	[tilespmem:$0x1BE20] =	vst v63  }
0x51: {  	s28 =	sadd.s32 $0x1000, s28  }
0x52: {  	[spmem:s2] =	stream.indirect.scatter.add.f32 [tilespmem:s21], [sflag:$0x4], $0x20, s30, s19, $0xb8;
	[tilespmem:$0x1BE20] =	vst v63  }
.LBB2_5:
0x53: {  	_ =	sfence.sel $0x180000  }
0x54: {  	[bflag:$0x0] =	sbarrier.arrive $0xFFFF  }
0x55: {  	p0 =	sne.s32 s0, $0x0;
	_ =	strace $0x9000004A  }
0x56: {  	s0 =	sadd.s32 @!p0 $0x100000, s1;
	[bflag:$0x2] =	sbarrier.arrive $0xFFFF  }
0x57: {  	[sflag:s0] =	ssyncadd.tile.s32 @!p0 $0x1;
	_ =	shalt  }
.Lfunc_end2:
_tile_overlayer_lowered:
.L_overlay_start_2:
0x58: {  	(tag) =	ssettag $0x2  }
0x59: {  	s0 =	rddreg [dreg:$0x0];
	s2 =	stileid.u32  }
0x5a: {  	s1 =	rddreg [dreg:$0x1];
	p0 =	sne.s32 s2, $0x0  }
0x5b: {  	s3 =	rddreg [dreg:$0x2];
	[bflag:$0x3] =	sbarrier.arrive $0xFFFF;
	s2 =	simm.s32 @!p0 $0x1C05  }
0x5c: {  	[timem:s3], [sflag:s2] =	dma.local @!p0 [hbm:s0], s1  }
0x5d: {  	s0 =	simm.s32 @!p0 $0x5  }
0x5e: {  	_ =	swait.ge @!p0 [sflag:s0], s1  }
0x5f: {  	s1 =	ssub.s32 @!p0 $0x0, s1;
	[sflag:s0] =	ssyncset.done @!p0 $0x0  }
0x60: {  	[sflag:s0] =	ssyncadd.s32 @!p0 s1  }
0x61: {  	[bflag:$0x3] =	sbarrier.arrive $0xFFFF  }
0x62: {  	_ =	shalt  }

// kernel: kernel.7.cloned.1.call-start
scs
__scs_entry_jumppad:
0x0: {  	(pc) =	sbr.rel $0x88, $3  }
0x1: {  	(tag) =	ssettag $0x0;
	lr =	simm.s32 $0x1  }
0x2: {  	[smem:$0x3F92] =	sst lr;
	_ =	strace $0xD0000000  }
0x3: {  	_ = 	snop  }
0x4: {  	_ = 	snop  }
0x5: {  	_ = 	snop  }
0x6: {  	_ = 	snop  }
0x7: {  	_ = 	snop  }
__scs_overlays_trampoline_lowered:
0x8: {  	[smem:$0x3FA1] =	sst s0  }
0x9: {  	[smem:$0x3FA2] =	sst s1  }
0xa: {  	[smem:$0x3FA3] =	sst s2  }
0xb: {  	[smem:$0x3FA4] =	sst s3  }
0xc: {  	[smem:$0x3FA5] =	sst s4  }
0xd: {  	[smem:$0x3FA6] =	sst s5  }
0xe: {  	[smem:$0x3FA7] =	sst s6  }
0xf: {  	[smem:$0x3FA8] =	sst s7  }
0x10: {  	[smem:$0x3FA9] =	sst s8  }
0x11: {  	[smem:$0x3FAA] =	sst s9;
	s0 =	simm.s32 @!p0 $0x0  }
0x12: {  	s1 =	sld [smem:$0x3F90];
	s0 =	simm.s32 @p0 $0x1  }
0x13: {  	[smem:$0x3FAB] =	sst s0;
	s0 =	simm.s32 @!p1 $0x0  }
0x14: {  	s2 =	sld [smem:$0x3F8F];
	s0 =	simm.s32 @p1 $0x1  }
0x15: {  	[smem:$0x3FAC] =	sst s0;
	s0 =	simm.s32 @!p2 $0x0  }
0x16: {  	s3 =	sld [smem:$0x3FDB];
	s0 =	simm.s32 @p2 $0x1  }
0x17: {  	s4 =	simm.s32 $0x1BF5;
	[smem:$0x3FAE] =	sst s0  }
0x18: {  	s0 =	sld [smem:$0x3F91];
	_ =	swait.ge [sflag:s4], $0x0  }
0x19: {  	s7 =	sld [smem:$0x3F92]  }
0x1a: {  	s8 =	sadd.s32 $0xFFFFE003, lr  }
0x1b: {  	s9 =	sadd.s32 $0xFFFFFEF7, lr;
	s5 =	simm.s32 $0xFFFFFFFF;
	p2 =	slt.u32 s8, $0xFFFFF086  }
0x1c: {  	p1 =	slt.u32 s9, $0xF7A;
	s5 =	simm.s32 @!p2 $0x0  }
0x1d: {  	s5 =	simm.s32 @p1 $0x1;
	p0 =	seq.s32 s7, s2  }
0x1e: {  	s7 =	smul.u32 @!p0 $0xF7A, s2;
	p2 =	seq.s32 @!p0 s5, $0x0  }
0x1f: {  	s9 =	smul.u32 $0xF7A, s1;
	s8 =	simm.s32 @!p0 $0x1BF5;
	p2 =	por !p2, p0  }
0x20: {  	[sflag:s8] =	ssyncset.s32 @!p0 $0xFFFFF086;
	s6 =	sadd.s32 @!p0 s3, s7;
	s7 =	simm.s32 @!p0 $0x108  }
0x21: {  	s3 =	sadd.s32 s3, s9;
	s6 =	sadd.s32 @!p0 $0x88, s6;
	s7 =	simm.s32 @p2 $0x1082  }
0x22: {  	[simem:s7], [sflag:s8] =	dma.local @!p0 [hbm:s6], $0xF7A  }
0x23: {  	s9 =	sor.u32 $0xD0000000, s2;
	s6 =	simm.s32 $0x108;
	_ =	swait.ge @!p0 [sflag:s8], $0x0  }
0x24: {  	s3 =	sadd.s32 $0x88, s3;
	s6 =	simm.s32 @!p1 $0x1082;
	[sflag:s4] =	ssyncset.s32 $0xFFFFF086  }
0x25: {  	[simem:s6], [sflag:s4] =	dma.local [hbm:s3], $0xF7A  }
0x26: {  	[smem:$0x3F92] =	sst s1;
	(tag) =	ssettag s2;
	_ =	strace s9  }
0x27: {  	s1 =	sld [smem:$0x3FA2]  }
0x28: {  	s2 =	sld [smem:$0x3FA3]  }
0x29: {  	s4 =	sld [smem:$0x3FA5]  }
0x2a: {  	p0 =	seq.s32 s5, $0x0;
	s5 =	sld [smem:$0x3FA6]  }
0x2b: {  	s6 =	sld [smem:$0x3FA7]  }
0x2c: {  	s7 =	sld [smem:$0x3FA8]  }
0x2d: {  	s3 =	simm.s32 $0x108;
	s8 =	sld [smem:$0x3FA9]  }
0x2e: {  	s3 =	simm.s32 @!p0 $0x1082;
	s9 =	sld [smem:$0x3FAA]  }
0x2f: {  	lr =	sadd.s32 s0, s3;
	s0 =	sld [smem:$0x3FA1]  }
0x30: {  	s3 =	sld [smem:$0x3FA4]  }
0x31: {  	[smem:$0x3FAD] =	sst s10  }
0x32: {  	s10 =	sld [smem:$0x3FAB];
	_ =	sdelay $0x3  }
0x33: {  	p0 =	seq.s32 s10, $0x1;
	s10 =	sld [smem:$0x3FAD];
	_ =	sdelay $0x3  }
0x34: {  	[smem:$0x3FAD] =	sst s10  }
0x35: {  	s10 =	sld [smem:$0x3FAC];
	_ =	sdelay $0x3  }
0x36: {  	p1 =	seq.s32 s10, $0x1;
	s10 =	sld [smem:$0x3FAD];
	_ =	sdelay $0x3  }
0x37: {  	[smem:$0x3FAD] =	sst s10  }
0x38: {  	s10 =	sld [smem:$0x3FAE]  }
0x39: {  	_ = 	snop;
	(pc) =	sbr.ind lr, $3  }
0x3a: {  	_ = 	snop  }
0x3b: {  	_ = 	snop  }
0x3c: {  	p2 =	seq.s32 s10, $0x1;
	s10 =	sld [smem:$0x3FAD]  }
0x3d: {  	_ =	shalt  }
0x3e: {  	_ =	shalt  }
0x3f: {  	_ =	shalt  }
0x40: {  	_ =	shalt  }
0x41: {  	_ =	shalt  }
0x42: {  	_ =	shalt  }
0x43: {  	_ =	shalt  }
0x44: {  	_ =	shalt  }
0x45: {  	_ =	shalt  }
0x46: {  	_ =	shalt  }
0x47: {  	_ =	shalt  }
0x48: {  	_ =	shalt  }
0x49: {  	_ =	shalt  }
0x4a: {  	_ =	shalt  }
0x4b: {  	_ =	shalt  }
0x4c: {  	_ =	shalt  }
0x4d: {  	_ =	shalt  }
0x4e: {  	_ =	shalt  }
0x4f: {  	_ =	shalt  }
0x50: {  	_ =	shalt  }
0x51: {  	_ =	shalt  }
0x52: {  	_ =	shalt  }
0x53: {  	_ =	shalt  }
0x54: {  	_ =	shalt  }
0x55: {  	_ =	shalt  }
0x56: {  	_ =	shalt  }
0x57: {  	_ =	shalt  }
0x58: {  	_ =	shalt  }
0x59: {  	_ =	shalt  }
0x5a: {  	_ =	shalt  }
0x5b: {  	_ =	shalt  }
0x5c: {  	_ =	shalt  }
0x5d: {  	_ =	shalt  }
0x5e: {  	_ =	shalt  }
0x5f: {  	_ =	shalt  }
0x60: {  	_ =	shalt  }
0x61: {  	_ =	shalt  }
0x62: {  	_ =	shalt  }
0x63: {  	_ =	shalt  }
0x64: {  	_ =	shalt  }
0x65: {  	_ =	shalt  }
0x66: {  	_ =	shalt  }
0x67: {  	_ =	shalt  }
0x68: {  	_ =	shalt  }
0x69: {  	_ =	shalt  }
0x6a: {  	_ =	shalt  }
0x6b: {  	_ =	shalt  }
0x6c: {  	_ =	shalt  }
0x6d: {  	_ =	shalt  }
0x6e: {  	_ =	shalt  }
0x6f: {  	_ =	shalt  }
0x70: {  	_ =	shalt  }
0x71: {  	_ =	shalt  }
0x72: {  	_ =	shalt  }
0x73: {  	_ =	shalt  }
0x74: {  	_ =	shalt  }
0x75: {  	_ =	shalt  }
0x76: {  	_ =	shalt  }
0x77: {  	_ =	shalt  }
0x78: {  	_ =	shalt  }
0x79: {  	_ =	shalt  }
0x7a: {  	_ =	shalt  }
0x7b: {  	_ =	shalt  }
0x7c: {  	_ =	shalt  }
0x7d: {  	_ =	shalt  }
0x7e: {  	_ =	shalt  }
0x7f: {  	_ =	shalt  }
0x80: {  	_ =	shalt  }
0x81: {  	_ =	shalt  }
0x82: {  	_ =	shalt  }
0x83: {  	_ =	shalt  }
0x84: {  	_ =	shalt  }
0x85: {  	_ =	shalt  }
0x86: {  	_ =	shalt  }
0x87: {  	_ =	shalt  }
.Lfunc_end0:
.L_simem_size_0:
called_computation_lowered:
.L_overlay_start_0:
0x88: {  	s2 =	sld [smem:$0x3FD9]  }
0x89: {  	s3 =	sld [smem:$0x3FFE];
	_ =	sdelay $0x1  }
0x8a: {  	s1 =	srdreg.scid  }
0x8b: {  	s0 =	sand.u32 $0x1, s1  }
0x8c: {  	s16 =	sshll.u32 s0, $0xA;
	s2 =	sadd.s32 s3, s2  }
0x8d: {  	s2 =	sadd.s32 s2, s16  }
0x8e: {  	[smem:$0x3FB9] =	sst s2  }
0x8f: {  	_ = 	snop  }
0x90: {  	(tm) =	ssettm $0x1  }
0x91: {  	s17 =	sld [smem:$0x3FFB];
	_ =	sdelay $0x3  }
0x92: {  	_ =	strace s17  }
0x93: {  	s2 =	sld [smem:$0x3FFC];
	_ =	sdelay $0x3  }
0x94: {  	_ =	strace s2  }
0x95: {  	s2 =	sld [smem:$0x3FFD];
	_ =	sdelay $0x3  }
0x96: {  	_ =	strace s2  }
0x97: {  	_ =	strace $0x8FFFFFFF  }
0x98: {  	s18 =	sld [smem:$0x3FDB];
	_ =	sdelay $0x1  }
0x99: {  	s19 =	simm.s32 $_scs_section_size  }
0x9a: {  	s4 =	simm.s32 $_size__tile_overlayer_lowered;
	s5 =	simm.s32 $_tile_overlayer_lowered  }
0x9b: {  	s22 =	simm.s32 $0x1BFF;
	s21 =	sshll.u32 s5, $0x1;
	s2 =	sadd.s32 s19, s18  }
0x9c: {  	s6 =	simm.s32 $0x0;
	s20 =	sshll.u32 s4, $0x1;
	s4 =	sadd.s32 s21, s2  }
0x9d: {  	[timem:s6], [sflag:s22] =	dma.local [hbm:s4], s20  }
0x9e: {  	_ =	swait.ge [sflag:s22], s20  }
0x9f: {  	s3 =	ssub.s32 $0x0, s20;
	[sflag:s22] =	ssyncset.done $0x0  }
0xa0: {  	[sflag:s22] =	ssyncadd.s32 s3;
	_ =	sdelay $0x1  }
0xa1: {  	s23 =	simm.s32 $0x1B8B  }
0xa2: {  	_ =	swait.ge [sflag:s23], $0x1  }
0xa3: {  	[sflag:s23] =	ssyncset.done $0x0  }
0xa4: {  	s25 =	simm.s32 $0x1B8E;
	s24 =	sld [smem:$0x3FFE];
	[sflag:s23] =	ssyncadd.s32 $0xFFFFFFFF  }
0xa5: {  	s26 =	simm.s32 $execute0_lowered;
	[smem:$0x3FD2] =	sst s25  }
0xa6: {  	s4 =	sshll.u32 s26, $0x1;
	_ =	strace $0x80000046;
	[dreg:$0x1] =	wrdreg $0xFFFFFFFF  }
0xa7: {  	s28 =	simm.s32 $_size_execute0_lowered;
	s2 =	sadd.s32 s2, s4;
	[dreg:$0x0] =	wrdreg $0x0  }
0xa8: {  	s4 =	sshll.u32 s28, $0x1;
	[dreg:$0x2] =	wrdreg s2  }
0xa9: {  	[dreg:$0x3] =	wrdreg s4  }
0xaa: {  	[dreg:$0x4] =	wrdreg $0xC0  }
0xab: {  	_ =	task [dreg:s6], $0x5FFFF  }
0xac: {  	[dreg:$0x1] =	wrdreg $0xFFFFFFFF  }
0xad: {  	[dreg:$0x0] =	wrdreg $0x60  }
0xae: {  	[dreg:$0x2] =	wrdreg s24  }
0xaf: {  	[dreg:$0x3] =	wrdreg $0x120000  }
0xb0: {  	[dreg:$0x4] =	wrdreg $0x170000  }
0xb1: {  	[dreg:$0x5] =	wrdreg $0x9  }
0xb2: {  	_ =	task.clear_ibuf [dreg:s6], $0x6FFFF;
	_ =	strace $0x90000046  }
0xb3: {  	s29 =	simm.s32 $0x9;
	_ =	strace $0x80000048  }
0xb4: {  	_ =	swait.ge [sflag:s29], $0x1  }
0xb5: {  	[sflag:s29] =	ssyncadd.s32 $0xFFFFFFFF  }
0xb6: {  	_ =	strace $0x90000048  }
0xb7: {  	_ =	sfence  }
0xb8: {  	s30 =	sld [smem:$0x0];
	_ =	sdelay $0x2  }
0xb9: {  	s31 =	sshll.u32 s1, $0xD;
	s1 =	sshrl.u32 s1, $0x2  }
0xba: {  	s3 =	sand.u32 $0x4000, s31;
	s1 =	sadd.s32 s1, s30  }
0xbb: {  	s0 =	sor.u32 s3, s0;
	s1 =	sshll.u32 s1, $0x11  }
0xbc: {  	s0 =	sor.u32 s1, s0  }
0xbd: {  	s0 =	sadd.s32 $0x8F2B, s0  }
0xbe: {  	[sflag:s0] =	ssyncadd.remote.s32 $0x1  }
0xbf: {  	_ =	sfence.sel $0xFFFF  }
0xc0: {  	[dreg:$0x0] =	wrdreg $0xFFFFFFFF;
	(pc) =	sbr.abs _section_cstart, $3  }
0xc1: {  	[dreg:$0x1] =	wrdreg $0xFFFFFFFF  }
0xc2: {  	_ =	task.clear_ibuf [dreg:s6], $0x2FFFF;
	_ =	strace $0x9FFFFFFF  }
0xc3: {  	(tm) =	ssettm $0x7FFFFFFF  }
tec
execute0_lowered:
.L_overlay_start_1:
0x0: {  	(tag) =	ssettag $0x1  }
0x1: {  	s6 =	rddreg [dreg:$0x0]  }
0x2: {  	s2 =	rddreg [dreg:$0x1];
	s1 =	srdreg.scid  }
0x3: {  	s0 =	stileid.u32;
	s3 =	rddreg [dreg:$0x2];
	s4 =	simm.s32 $0x0  }
0x4: {  	s16 =	simm.s32 $0x4;
	s17 =	simm.s32 $0x8;
	s18 =	simm.s32 $0x5000  }
0x5: {  	s19 =	simm.s32 $0x200;
	s20 =	simm.s32 $0xA000;
	s5 =	smul.u32 $0x9C40, s0  }
0x6: {  	s21 =	simm.s32 $0xE000;
	s22 =	simm.s32 $0x2;
	s9 =	smul.u32 $0xA00, s0  }
0x7: {  	s23 =	simm.s32 $0x3;
	s24 =	simm.s32 $0x400;
	s10 =	smul.u32 $0xA000, s0  }
0x8: {  	s7 =	sand.u32 $0x1, s1;
	s1 =	rddreg [dreg:$0x3];
	s25 =	smul.u32 $0x14000, s0  }
0x9: {  	[smem:$0x7FF] =	sst s4;
	s28 =	smul.u32 $0x13880, s0;
	s30 =	sshll.u32 s0, $0x6  }
0xa: {  	s8 =	sshll.u32 s7, $0x5;
	_ =	strace $0x80000047;
	s7 =	ssub.s32 $0x2, s7  }
0xb: {  	s5 =	sor.u32 s8, s5;
	s9 =	sadd.s32 s9, s6;
	s8 =	sor.u32 s8, s10  }
0xc: {  	s26 =	sshrl.u32 s7, $0x1;
	s29 =	sshrl.u32 s25, $0x2;
	s31 =	sshrl.u32 s28, $0x2  }
0xd: {  	s25 =	simm.s32 $0x5200;
	s5 =	sshrl.u32 s5, $0x3;
	s8 =	sshrl.u32 s8, $0x3  }
0xe: {  	s13 =	ssub.s32 s7, s26;
	s14 =	sadd.s32 s29, s2;
	s15 =	sadd.s32 s31, s3  }
.Ltmp0:
0xf: {  	s26 =	simm.s32 $0x0;
	s11 =	sadd.s32 s5, s6;
	(pc) =	sbr.rel .LBB2_1-.Ltmp0, $4  }
0x10: {  	s5 =	sadd.s32 $0x29400, s6;
	s12 =	sadd.s32 s8, s6;
	s6 =	sor.u32 $0x1C05, s30  }
0x11: {  	s8 =	sadd.s32 $0x1F400, s9;
	s9 =	sadd.s32 $0x15400, s9;
	s7 =	sadd.s32 $0x1A00, s11  }
0x12: {  	s10 =	sadd.s32 $0x29E00, s12;
	s11 =	smax.u32 s13, $0x1;
	s12 =	sshrl.u32 s14, $0x3  }
0x13: {  	s13 =	simm.s32 $0x5;
	s14 =	sshrl.u32 s15, $0x3;
	s15 =	simm.s32 $0x1  }
.LBB2_4:
0x14: {  	[spmem:s2] =	stream.indirect.scatter.add.f32 [tilespmem:s21], [sflag:$0x4], $0x20, s30, s19, $0xb8;
	[tilespmem:$0x1BE20] =	vst v63  }
0x15: {  	_ =	swait.ge [sflag:s23], $0x4000  }
0x16: {  	[sflag:s23] =	ssyncset.done $0x0  }
0x17: {  	[sflag:s23] =	ssyncadd.s32 $0xFFFFC000  }
0x18: {  	_ =	swait.ge [sflag:s16], $0x4000  }
0x19: {  	s26 =	sadd.s32 $0x1, s26;
	[sflag:s16] =	ssyncset.done $0x0  }
0x1a: {  	p0 =	sne.s32 s26, s11;
	[sflag:s16] =	ssyncadd.s32 $0xFFFFC000  }
.Ltmp1:
0x1b: {  	[bflag:$0x0] =	sbarrier.arrive $0xFFFF;
	(pc) =	sbr.rel @!p0 .LBB2_5-.Ltmp1, $4  }
0x1c: {  	[hbm:s10@s17], [sflag:s6] =	dma.strided [spmem:s12@s16], $0xA00, s15, $0x4   }
0x1d: {  	_ =	swait.ge [sflag:s13], $0xA00  }
0x1e: {  	[sflag:s13] =	ssyncset.done $0x0  }
0x1f: {  	[sflag:s13] =	ssyncadd.s32 $0xFFFFF600  }
.LBB2_1:
0x20: {  	[spmem:s12], [sflag:s6] =	dma.local [hbm:s5], $0xA00  }
0x21: {  	_ =	swait.ge [sflag:s13], $0xA00  }
0x22: {  	[sflag:s13] =	ssyncset.done $0x0  }
0x23: {  	[sflag:s13] =	ssyncadd.s32 $0xFFFFF600  }
0x24: {  	[spmem:s14@s16], [sflag:s6] =	dma.strided [hbm:s7@s17], $0x9C4, s15, $0x4   }
0x25: {  	_ =	swait.ge [sflag:s13], $0x9C4  }
0x26: {  	[sflag:s13] =	ssyncset.done $0x0  }
0x27: {  	[sflag:s13] =	ssyncadd.s32 $0xFFFFF63C  }
0x28: {  	[tilespmem:s4], [sflag:$0x5] =	stream.linear.gather [hbm4b:s8+s4], $0x5000, $0x38;
	[tilespmem:$0x1BE20] =	vst v63  }
0x29: {  	_ =	swait.ge [sflag:s13], $0x5000  }
0x2a: {  	[sflag:s13] =	ssyncset.done $0x0  }
0x2b: {  	[sflag:s13] =	ssyncadd.s32 $0xFFFFB000  }
0x2c: {  	[tilespmem:s18], [sflag:$0x5] =	stream.linear.gather [hbm4b:s9+s4], $0x5000, $0x38;
	[tilespmem:$0x1BE20] =	vst v63  }
0x2d: {  	_ =	swait.ge [sflag:s13], $0x5000  }
0x2e: {  	[sflag:s13] =	ssyncset.done $0x0  }
0x2f: {  	[sflag:s13] =	ssyncadd.s32 $0xFFFFB000  }
0x30: {  	[bflag:$0x0] =	sbarrier.arrive $0xFFFF  }
0x31: {  	[tilespmem:s20], [sflag:$0x1] =	stream.indirect.gather [spmem:s3], $0x20, s4, s19, $0xb8;
	[tilespmem:$0x1BE20] =	vst v63  }
0x32: {  	_ =	swait.ge [sflag:s15], $0x4000  }
0x33: {  	[sflag:s15] =	ssyncset.done $0x0  }
0x34: {  	[sflag:s15] =	ssyncadd.s32 $0xFFFFC000  }
0x35: {  	[tilespmem:s21], [sflag:$0x2] =	stream.indirect.gather [spmem:s3], $0x20, s19, s19, $0xb8;
	[tilespmem:$0x1BE20] =	vst v63  }
0x36: {  	_ = 	snop  }
0x37: {  	[spmem:s2] =	stream.indirect.scatter.add.f32 [tilespmem:s20], [sflag:$0x3], $0x20, s18, s19, $0xb8;
	[tilespmem:$0x1BE20] =	vst v63  }
0x38: {  	_ =	swait.ge [sflag:s22], $0x4000  }
0x39: {  	[sflag:s22] =	ssyncset.done $0x0  }
0x3a: {  	[sflag:s22] =	ssyncadd.s32 $0xFFFFC000  }
0x3b: {  	_ =	swait.ge [sflag:s23], $0x4000  }
0x3c: {  	[sflag:s23] =	ssyncset.done $0x0  }
0x3d: {  	[sflag:s23] =	ssyncadd.s32 $0xFFFFC000  }
0x3e: {  	[tilespmem:s20], [sflag:$0x1] =	stream.indirect.gather [spmem:s3], $0x20, s24, s19, $0xb8;
	[tilespmem:$0x1BE20] =	vst v63  }
0x3f: {  	s28 =	simm.s32 $0xFFFEE000  }
0x40: {  	[spmem:s2] =	stream.indirect.scatter.add.f32 [tilespmem:s21], [sflag:$0x4], $0x20, s25, s19, $0xb8;
	[tilespmem:$0x1BE20] =	vst v63  }
.LBB2_2:
0x41: {  	_ =	swait.ge [sflag:s15], $0x4000  }
0x42: {  	[sflag:s15] =	ssyncset.done $0x0  }
0x43: {  	[sflag:s15] =	ssyncadd.s32 $0xFFFFC000  }
0x44: {  	_ =	swait.ge [sflag:s16], $0x4000  }
0x45: {  	s29 =	sshra.s32 s28, $0x2;
	[sflag:s16] =	ssyncset.done $0x0  }
0x46: {  	p0 =	seq.s32 s28, $0x0;
	s30 =	sadd.s32 $0x4E00, s29;
	[sflag:s16] =	ssyncadd.s32 $0xFFFFC000  }
0x47: {  	[tilespmem:s21], [sflag:$0x2] =	stream.indirect.gather [spmem:s3], $0x20, s30, s19, $0xb8;
	[tilespmem:$0x1BE20] =	vst v63  }
.Ltmp2:
0x48: {  	s30 =	sadd.s32 $0x9C00, s29;
	(pc) =	sbr.rel @p0 .LBB2_4-.Ltmp2, $4  }
0x49: {  	[spmem:s2] =	stream.indirect.scatter.add.f32 [tilespmem:s20], [sflag:$0x3], $0x20, s30, s19, $0xb8;
	[tilespmem:$0x1BE20] =	vst v63  }
0x4a: {  	_ =	swait.ge [sflag:s22], $0x4000  }
0x4b: {  	[sflag:s22] =	ssyncset.done $0x0  }
0x4c: {  	s30 =	sadd.s32 $0x9E00, s29;
	[sflag:s22] =	ssyncadd.s32 $0xFFFFC000  }
0x4d: {  	_ =	swait.ge [sflag:s23], $0x4000  }
.Ltmp3:
0x4e: {  	[sflag:s23] =	ssyncset.done $0x0;
	(pc) =	sbr.rel .LBB2_2-.Ltmp3, $4  }
0x4f: {  	s29 =	sadd.s32 $0x5000, s29;
	[sflag:s23] =	ssyncadd.s32 $0xFFFFC000  }
0x50: {  	[tilespmem:s20], [sflag:$0x1] =	stream.indirect.gather [spmem:s3], $0x20, s29, s19, $0xb8;
	[tilespmem:$0x1BE20] =	vst v63  }
0x51: {  	s28 =	sadd.s32 $0x1000, s28  }
0x52: {  	[spmem:s2] =	stream.indirect.scatter.add.f32 [tilespmem:s21], [sflag:$0x4], $0x20, s30, s19, $0xb8;
	[tilespmem:$0x1BE20] =	vst v63  }
.LBB2_5:
0x53: {  	_ =	sfence.sel $0x180000  }
0x54: {  	[bflag:$0x0] =	sbarrier.arrive $0xFFFF  }
0x55: {  	p0 =	sne.s32 s0, $0x0;
	_ =	strace $0x90000047  }
0x56: {  	s0 =	sadd.s32 @!p0 $0x100000, s1;
	[bflag:$0x2] =	sbarrier.arrive $0xFFFF  }
0x57: {  	[sflag:s0] =	ssyncadd.tile.s32 @!p0 $0x1;
	_ =	shalt  }
.Lfunc_end2:
_tile_overlayer_lowered:
.L_overlay_start_2:
0x58: {  	(tag) =	ssettag $0x2  }
0x59: {  	s0 =	rddreg [dreg:$0x0];
	s2 =	stileid.u32  }
0x5a: {  	s1 =	rddreg [dreg:$0x1];
	p0 =	sne.s32 s2, $0x0  }
0x5b: {  	s3 =	rddreg [dreg:$0x2];
	[bflag:$0x3] =	sbarrier.arrive $0xFFFF;
	s2 =	simm.s32 @!p0 $0x1C05  }
0x5c: {  	[timem:s3], [sflag:s2] =	dma.local @!p0 [hbm:s0], s1  }
0x5d: {  	s0 =	simm.s32 @!p0 $0x5  }
0x5e: {  	_ =	swait.ge @!p0 [sflag:s0], s1  }
0x5f: {  	s1 =	ssub.s32 @!p0 $0x0, s1;
	[sflag:s0] =	ssyncset.done @!p0 $0x0  }
0x60: {  	[sflag:s0] =	ssyncadd.s32 @!p0 s1  }
0x61: {  	[bflag:$0x3] =	sbarrier.arrive $0xFFFF  }
0x62: {  	_ =	shalt  }

</sc_bundles>
